<compile_context>
chip_gen: v7x
topology: tpu7x:2x2x1
jax: 0.10.2.dev20260603
libtpu: 0.0.44.dev20260713+nightly
codegen_flags: <defaults>
</compile_context>

<pallas_src>
import functools
import math

import jax
import jax.numpy as jnp
from jax import lax
from jax.experimental import pallas as pl
from jax.experimental.pallas import tpu as pltpu
from jax.experimental.pallas import tpu_sc as plsc

N = 50086
B = 317
D = 128
DK = 64
H = 2
DV = D // H
DFF = 4 * D
L = 2
MOVES = 10

BN = 512
NB = (N + BN - 1) // BN
NPAD = NB * BN
BP = 384
NEG = -1e30
ISQ = 1.0 / math.sqrt(DK)

NW = 32
GROWS = 4 * NPAD
RPW = GROWS // NW
CH = 112
NCH = RPW // CH
NG = NCH // 2


def _make_sc_gather():
    mesh = plsc.VectorSubcoreMesh(core_axis_name="c", subcore_axis_name="s")

    @functools.partial(
        pl.kernel,
        mesh=mesh,
        out_type=jax.ShapeDtypeStruct((GROWS, D), jnp.float32),
        scratch_types=[
            pltpu.VMEM((RPW,), jnp.int32),
            pltpu.VMEM((CH, D), jnp.float32),
            pltpu.VMEM((CH, D), jnp.float32),
            pltpu.SemaphoreType.DMA,
            pltpu.SemaphoreType.DMA,
        ],
    )
    def gather_k(tab_hbm, idx_hbm, out_hbm, idx_v, buf0, buf1, sem0, sem1):
        wid = lax.axis_index("s") * 2 + lax.axis_index("c")
        base = pl.multiple_of(wid * RPW, 8)
        pltpu.sync_copy(idx_hbm.at[pl.ds(base, RPW)], idx_v)

        def start(c, buf, sem):
            off = pl.multiple_of(c * CH, 8)
            pltpu.make_async_copy(
                tab_hbm.at[idx_v.at[pl.ds(off, CH)]], buf, sem).start()

        def wait_store(c, buf, sem):
            off = pl.multiple_of(c * CH, 8)
            pltpu.make_async_copy(
                tab_hbm.at[idx_v.at[pl.ds(off, CH)]], buf, sem).wait()
            pltpu.sync_copy(buf, out_hbm.at[pl.ds(base + off, CH)])

        start(0, buf0, sem0)

        def body(g, carry):
            c0 = 2 * g
            start(c0 + 1, buf1, sem1)
            wait_store(c0, buf0, sem0)

            @pl.when(g < NG - 1)
            def _():
                start(c0 + 2, buf0, sem0)

            wait_store(c0 + 1, buf1, sem1)
            return carry

        lax.fori_loop(0, NG, body, 0)

    return gather_k


_sc_gather_cache = None


def _sc_gather(tab, idx):
    global _sc_gather_cache
    if _sc_gather_cache is None:
        _sc_gather_cache = _make_sc_gather()
    return _sc_gather_cache(tab, idx)


def _ln(v, g, b):
    mu = jnp.mean(v, axis=1, keepdims=True)
    c = v - mu
    var = jnp.mean(c * c, axis=1, keepdims=True)
    return c * lax.rsqrt(var + 1e-5) * g + b


def _s2_body(x_ref, ng_ref, wq_ref, wk_ref, a_ref, m_ref, s_ref, m_scr, s_scr):
    i = pl.program_id(0)
    xbh = x_ref[...].astype(jnp.bfloat16)
    q = jnp.dot(xbh, wq_ref[...], preferred_element_type=jnp.float32)
    es = []
    for r in range(5):
        xn = xbh if r == 0 else ng_ref[r - 1].astype(jnp.bfloat16)
        kb = jnp.dot(xn, wk_ref[r], preferred_element_type=jnp.float32)
        es.append(q * kb)
    e = jnp.concatenate(es, axis=1)
    jb = lax.broadcasted_iota(jnp.int32, (5 * D, 16), 0) // DV
    tcol = (jb % 2) * 5 + jb // 2
    sel = (tcol == lax.broadcasted_iota(jnp.int32, (5 * D, 16), 1)).astype(jnp.float32)
    a = jnp.dot(e, sel, preferred_element_type=jnp.float32) * ISQ
    row = i * BN + lax.broadcasted_iota(jnp.int32, (BN, 1), 0)
    a = jnp.where(row < N, a, NEG)
    a_ref[...] = a

    bm = jnp.max(a, axis=0, keepdims=True)
    bs = jnp.sum(jnp.exp(a - bm), axis=0, keepdims=True)

    @pl.when(i == 0)
    def _():
        m_scr[0:1, :] = bm
        s_scr[0:1, :] = bs

    @pl.when(i > 0)
    def _():
        m_old = m_scr[0:1, :]
        s_old = s_scr[0:1, :]
        m_new = jnp.maximum(m_old, bm)
        s_scr[0:1, :] = s_old * jnp.exp(m_old - m_new) + bs * jnp.exp(bm - m_new)
        m_scr[0:1, :] = m_new

    @pl.when(i == NB - 1)
    def _():
        m_ref[...] = jnp.broadcast_to(m_scr[0:1, :], (8, 16))
        s_ref[...] = jnp.broadcast_to(s_scr[0:1, :], (8, 16))


def _make_s4_body(with_heads):
    def body(x_ref, ng_ref, a_ref, m_ref, s_ref, wv_ref, w1_ref, b1_ref,
             w2_ref, b2_ref, g1_ref, be1_ref, g2_ref, be2_ref, *rest):
        if with_heads:
            (offs_ref, pw_ref, pb_ref, cnt_ref, vw_ref, vb_ref,
             pol_ref, pool_ref, val_ref) = rest
        else:
            (out_ref,) = rest
        i = pl.program_id(0)
        xb = x_ref[...]
        xbh = xb.astype(jnp.bfloat16)
        w = jnp.exp(a_ref[...] - m_ref[0:1, :]) / s_ref[0:1, :]
        vbs = []
        for r in range(5):
            xn = xbh if r == 0 else ng_ref[r - 1].astype(jnp.bfloat16)
            vbs.append(jnp.dot(xn, wv_ref[r], preferred_element_type=jnp.float32))
        v_wide = jnp.concatenate(vbs, axis=1)
        jb = lax.broadcasted_iota(jnp.int32, (16, 5 * D), 1) // DV
        tcol = (jb % 2) * 5 + jb // 2
        sw = (tcol == lax.broadcasted_iota(jnp.int32, (16, 5 * D), 0)).astype(jnp.float32)
        w_wide = jnp.dot(w, sw, preferred_element_type=jnp.float32)
        zw = v_wide * w_wide
        z = zw[:, :D]
        for r in range(1, 5):
            z = z + zw[:, r * D:(r + 1) * D]
        x1 = _ln(xb + z, g1_ref[...], be1_ref[...])
        hft = jnp.maximum(jnp.dot(x1.astype(jnp.bfloat16), w1_ref[...],
                                  preferred_element_type=jnp.float32)
                          + b1_ref[...], 0.0)
        f = jnp.dot(hft.astype(jnp.bfloat16), w2_ref[...],
                    preferred_element_type=jnp.float32) + b2_ref[...]
        xo = _ln(x1 + f, g2_ref[...], be2_ref[...])
        row = i * BN + lax.broadcasted_iota(jnp.int32, (BN, 1), 0)
        xo = jnp.where(row < N, xo, 0.0)
        if with_heads:
            pol_ref[...] = jnp.dot(xo.astype(jnp.bfloat16), pw_ref[...],
                                   preferred_element_type=jnp.float32) + pb_ref[...]
            lo = offs_ref[0:1, :]
            hi = offs_ref[1:2, :]
            onehot = ((row >= lo) & (row < hi)).astype(jnp.float32)
            part = lax.dot_general(onehot, xo, (((0,), (0,)), ((), ())),
                                   preferred_element_type=jnp.float32)

            @pl.when(i == 0)
            def _():
                pool_ref[...] = jnp.zeros((BP, D), jnp.float32)

            pool_ref[...] += part

            @pl.when(i == NB - 1)
            def _():
                pooled = pool_ref[...] / cnt_ref[...]
                val_ref[...] = jnp.tanh(
                    jnp.dot(pooled, vw_ref[...], preferred_element_type=jnp.float32)
                    + vb_ref[...])
        else:
            out_ref[...] = xo

    return body


_s4_in_specs = [
    pl.BlockSpec((BN, D), lambda i: (i, 0)),
    pl.BlockSpec((4, BN, D), lambda i: (0, i, 0)),
    pl.BlockSpec((BN, 16), lambda i: (i, 0)),
    pl.BlockSpec((8, 16), lambda i: (0, 0)),
    pl.BlockSpec((8, 16), lambda i: (0, 0)),
    pl.BlockSpec((5, D, D), lambda i: (0, 0, 0)),
    pl.BlockSpec((D, DFF), lambda i: (0, 0)),
    pl.BlockSpec((1, DFF), lambda i: (0, 0)),
    pl.BlockSpec((DFF, D), lambda i: (0, 0)),
    pl.BlockSpec((1, D), lambda i: (0, 0)),
    pl.BlockSpec((1, D), lambda i: (0, 0)),
    pl.BlockSpec((1, D), lambda i: (0, 0)),
    pl.BlockSpec((1, D), lambda i: (0, 0)),
    pl.BlockSpec((1, D), lambda i: (0, 0)),
]

_s2 = pl.pallas_call(
    _s2_body,
    grid=(NB,),
    in_specs=[
        pl.BlockSpec((BN, D), lambda i: (i, 0)),
        pl.BlockSpec((4, BN, D), lambda i: (0, i, 0)),
        pl.BlockSpec((D, D), lambda i: (0, 0)),
        pl.BlockSpec((5, D, D), lambda i: (0, 0, 0)),
    ],
    out_specs=[pl.BlockSpec((BN, 16), lambda i: (i, 0)),
               pl.BlockSpec((8, 16), lambda i: (0, 0)),
               pl.BlockSpec((8, 16), lambda i: (0, 0))],
    out_shape=[jax.ShapeDtypeStruct((NPAD, 16), jnp.float32),
               jax.ShapeDtypeStruct((8, 16), jnp.float32),
               jax.ShapeDtypeStruct((8, 16), jnp.float32)],
    scratch_shapes=[pltpu.VMEM((8, 16), jnp.float32),
                    pltpu.VMEM((8, 16), jnp.float32)],
    compiler_params=pltpu.CompilerParams(dimension_semantics=("arbitrary",)),
)

_s4 = pl.pallas_call(
    _make_s4_body(False),
    grid=(NB,),
    in_specs=_s4_in_specs,
    out_specs=pl.BlockSpec((BN, D), lambda i: (i, 0)),
    out_shape=jax.ShapeDtypeStruct((NPAD, D), jnp.float32),
    compiler_params=pltpu.CompilerParams(dimension_semantics=("arbitrary",)),
)

_s4h = pl.pallas_call(
    _make_s4_body(True),
    grid=(NB,),
    in_specs=_s4_in_specs + [
        pl.BlockSpec((8, BP), lambda i: (0, 0)),
        pl.BlockSpec((D, 16), lambda i: (0, 0)),
        pl.BlockSpec((1, 16), lambda i: (0, 0)),
        pl.BlockSpec((BP, D), lambda i: (0, 0)),
        pl.BlockSpec((D, D), lambda i: (0, 0)),
        pl.BlockSpec((1, D), lambda i: (0, 0)),
    ],
    out_specs=[pl.BlockSpec((BN, 16), lambda i: (i, 0)),
               pl.BlockSpec((BP, D), lambda i: (0, 0)),
               pl.BlockSpec((BP, D), lambda i: (0, 0))],
    out_shape=[jax.ShapeDtypeStruct((NPAD, 16), jnp.float32),
               jax.ShapeDtypeStruct((BP, D), jnp.float32),
               jax.ShapeDtypeStruct((BP, D), jnp.float32)],
    compiler_params=pltpu.CompilerParams(dimension_semantics=("arbitrary",)),
)


def _gather_neighbors(tab16, adj_sm):
    flat = _sc_gather(tab16, adj_sm)
    return flat.reshape(4, NPAD, D)


def kernel(x, adjacency_matrix, batch_sizes, w_q, w_k, w_v, ffn_w1, ffn_b1,
           ffn_w2, ffn_b2, n1_g, n1_b, n2_g, n2_b, policy_w, policy_b,
           value_w, value_b):
    f32 = jnp.float32
    bf16 = jnp.bfloat16
    adj_sm = jnp.pad(adjacency_matrix.T, ((0, 0), (0, NPAD - N))).reshape(-1)

    csum = jnp.cumsum(batch_sizes)
    lo = jnp.pad(jnp.concatenate([jnp.zeros((1,), batch_sizes.dtype),
                                  csum[:-1]]), (0, BP - B), constant_values=N)
    hi = jnp.pad(csum, (0, BP - B), constant_values=N)
    offs = jnp.stack([lo, hi] + [hi] * 6).astype(jnp.int32)

    counts = jnp.clip(batch_sizes.astype(f32), 1e-9, None)
    counts_bc = jnp.broadcast_to(jnp.pad(counts, (0, BP - B),
                                         constant_values=1.0)[:, None], (BP, D))
    pw_pad = jnp.zeros((D, 16), f32).at[:, :MOVES].set(policy_w).astype(bf16)
    pb_pad = jnp.pad(policy_b, (0, 16 - MOVES)).reshape(1, 16)
    vw_pad = jnp.zeros((D, D), f32).at[:, :1].set(value_w)
    vb_pad = jnp.pad(value_b, (0, D - 1)).reshape(1, D)

    wq_cat = jnp.concatenate([w_q[:, 0], w_q[:, 1]], axis=-1).astype(bf16)
    wk_cat = jnp.concatenate([w_k[:, 0], w_k[:, 1]], axis=-1).astype(bf16)
    wv_cat = jnp.concatenate([w_v[:, 0], w_v[:, 1]], axis=-1).astype(bf16)
    w1_bf = ffn_w1.astype(bf16)
    w2_bf = ffn_w2.astype(bf16)

    h = x
    tab = x
    pol = None
    val = None
    for l in range(L):
        ng = _gather_neighbors(tab, adj_sm)
        a, m, s = _s2(h, ng, wq_cat[l], wk_cat[l])
        wts = (wv_cat[l], w1_bf[l], ffn_b1[l].reshape(1, DFF), w2_bf[l],
               ffn_b2[l].reshape(1, D), n1_g[l].reshape(1, D),
               n1_b[l].reshape(1, D), n2_g[l].reshape(1, D),
               n2_b[l].reshape(1, D))
        if l < L - 1:
            h = _s4(h, ng, a, m, s, *wts)
            tab = h
        else:
            pol, _, val = _s4h(h, ng, a, m, s, *wts,
                               offs, pw_pad, pb_pad,
                               counts_bc, vw_pad, vb_pad)

    return (pol[:N, :MOVES], val[:B, :1])

# --- scband reference (transcript-rebuilt; emitter-appended) ---
"""Pipeline reference for scband-alpha-knot-22299470200871 (READ-ONLY COPY).

The authoritative reference and input builder live on the scoring server;
editing this copy changes nothing except your own understanding.
"""

import jax, jax.numpy as jnp
import numpy as np
import math

N = 50086
B = 317
D = 128
DK = 64
H = 2
DV = D // H
DFF = 4 * D
L = 2
MOVES = 10


def _layer_norm(x, g, b, eps=1e-5):
    m = jnp.mean(x, axis=-1, keepdims=True)
    v = jnp.mean((x - m) ** 2, axis=-1, keepdims=True)
    return (x - m) / jnp.sqrt(v + eps) * g + b


def _knot_layer(x, adj, wq, wk, wv, w1, b1, w2, b2, g1, be1, g2, be2):
    n = x.shape[0]
    neigh = x[adj]  # (N, 4, D) gather of typed neighbors
    xn = jnp.concatenate([x[:, None, :], neigh], axis=1)  # (N, 5, D): self + 4 neighbors
    Q = jnp.einsum('nd,hdk->hnk', x, wq)
    K = jnp.einsum('nrd,hrdk->hnrk', xn, wk)
    V = jnp.einsum('nrd,hrdv->hnrv', xn, wv)
    A = jnp.einsum('hnk,hnrk->hnr', Q, K) / math.sqrt(DK)
    A = jax.nn.softmax(A, axis=1)  # faithful to torch code: softmax over dim=1 (node axis)
    Z = jnp.einsum('hnr,hnrv->hnv', A, V)
    Z = jnp.transpose(Z, (1, 0, 2)).reshape(n, -1)
    x = _layer_norm(x + Z, g1, be1)
    h = jax.nn.relu(x @ w1 + b1)
    f = h @ w2 + b2
    return _layer_norm(x + f, g2, be2)


def setup_inputs(seed: int = 0):
    key = jax.random.key(seed)
    ks = jax.random.split(key, 9)
    s = 0.05
    x = jax.random.normal(ks[0], (N, D), dtype=jnp.float32)
    adjacency_matrix = jax.random.randint(ks[1], (N, 4), 0, N, dtype=jnp.int32)
    batch_sizes = jnp.arange(B, dtype=jnp.int32)  # sums exactly to N
    w_q = s * jax.random.normal(ks[2], (L, H, D, DK), dtype=jnp.float32)
    w_k = s * jax.random.normal(ks[3], (L, H, 5, D, DK), dtype=jnp.float32)
    w_v = s * jax.random.normal(ks[4], (L, H, 5, D, DV), dtype=jnp.float32)
    ffn_w1 = s * jax.random.normal(ks[5], (L, D, DFF), dtype=jnp.float32)
    ffn_b1 = jnp.zeros((L, DFF), dtype=jnp.float32)
    ffn_w2 = s * jax.random.normal(ks[6], (L, DFF, D), dtype=jnp.float32)
    ffn_b2 = jnp.zeros((L, D), dtype=jnp.float32)
    n1_g = jnp.ones((L, D), jnp.float32)
    n1_b = jnp.zeros((L, D), jnp.float32)
    n2_g = jnp.ones((L, D), jnp.float32)
    n2_b = jnp.zeros((L, D), jnp.float32)
    policy_w = s * jax.random.normal(ks[7], (D, MOVES), dtype=jnp.float32)
    policy_b = jnp.zeros((MOVES,), jnp.float32)
    value_w = s * jax.random.normal(ks[8], (D, 1), dtype=jnp.float32)
    value_b = jnp.zeros((1,), jnp.float32)
    return {
        'x': x, 'adjacency_matrix': adjacency_matrix, 'batch_sizes': batch_sizes,
        'w_q': w_q, 'w_k': w_k, 'w_v': w_v,
        'ffn_w1': ffn_w1, 'ffn_b1': ffn_b1, 'ffn_w2': ffn_w2, 'ffn_b2': ffn_b2,
        'n1_g': n1_g, 'n1_b': n1_b, 'n2_g': n2_g, 'n2_b': n2_b,
        'policy_w': policy_w, 'policy_b': policy_b, 'value_w': value_w, 'value_b': value_b,
    }


def reference(x, adjacency_matrix, batch_sizes, w_q, w_k, w_v, ffn_w1, ffn_b1, ffn_w2, ffn_b2, n1_g, n1_b, n2_g, n2_b, policy_w, policy_b, value_w, value_b):
    h = x
    for l in range(L):
        h = _knot_layer(h, adjacency_matrix, w_q[l], w_k[l], w_v[l],
                        ffn_w1[l], ffn_b1[l], ffn_w2[l], ffn_b2[l],
                        n1_g[l], n1_b[l], n2_g[l], n2_b[l])
    # mean_pool_index_add: segment mean over per-graph node counts
    idx = jnp.repeat(jnp.arange(B), batch_sizes, total_repeat_length=N)
    summed = jnp.zeros((B, h.shape[1]), dtype=h.dtype).at[idx].add(h)
    pooled = summed / jnp.clip(batch_sizes.astype(h.dtype), 1e-9, None)[:, None]
    policy_logits = h @ policy_w + policy_b  # per-node action logits
    value = jnp.tanh(pooled @ value_w + value_b)  # per-graph value
    return (policy_logits, value)

if __name__ == "__main__":
    import jax
    _d = setup_inputs()
    print(jax.jit(kernel)(*tuple(_d.values())))

</pallas_src>

<mosaic_0001>
#map = affine_map<(d0, d1) -> (0, 0)>
#map1 = affine_map<(d0, d1) -> (0)>
module attributes {stable_mosaic.version = 14 : i64} {
  func.func @gather_k(%arg0: i32, %arg1: i32, %arg2: memref<50086x128xf32, #tpu.memory_space<hbm>>, %arg3: memref<200704xi32, #tpu.memory_space<hbm>>, %arg4: memref<200704x128xf32, #tpu.memory_space<hbm>>, %arg5: memref<6272xi32, #tpu.memory_space<vmem>>, %arg6: memref<112x128xf32, #tpu.memory_space<vmem>>, %arg7: memref<112x128xf32, #tpu.memory_space<vmem>>, %arg8: memref<!tpu.dma_semaphore, #tpu.memory_space<semaphore_mem>>, %arg9: memref<!tpu.dma_semaphore, #tpu.memory_space<semaphore_mem>>) attributes {dimension_semantics = [#tpu.dimension_semantics<core_parallel>, #tpu.dimension_semantics<subcore_parallel>], iteration_bounds = array<i64: 2, 16>, scalar_prefetch = 0 : i64, scratch_operands = 5 : i64, tpu.core_type = #tpu.core_type<sc_vector_subcore>, window_params = [{transform_indices = #map}, {transform_indices = #map1}, {transform_indices = #map}]} {
    %mul3A = arith.constant 2 : i32
    %mul3A_0 = arith.muli %arg1, %mul3A : i32
    %add3A = arith.addi %mul3A_0, %arg0 : i32
    %mul3A_1 = arith.constant 6272 : i32
    %mul3A_2 = arith.muli %add3A, %mul3A_1 : i32
    %multiple_of3A = tpu.assume_multiple %mul3A_2, 8 : i32
    "tpu.region"() ({
      %run_scoped3A = tpu.sem_alloc : memref<!tpu.dma_semaphore, #tpu.memory_space<semaphore_mem>>
      %dma_start3A_13 = tpu.memref_slice %arg3[%multiple_of3A] : memref<200704xi32, #tpu.memory_space<hbm>> -> memref<6272xi32, #tpu.memory_space<hbm>>
      %dma_start3A_14 = tpu.memref_slice %arg3[%multiple_of3A] : memref<200704xi32, #tpu.memory_space<hbm>> -> memref<6272xi32, #tpu.memory_space<hbm>>
      tpu.enqueue_dma source(%dma_start3A_14 : memref<6272xi32, #tpu.memory_space<hbm>>) target(%arg5 : memref<6272xi32, #tpu.memory_space<vmem>>) target_semaphore(%run_scoped3A : memref<!tpu.dma_semaphore, #tpu.memory_space<semaphore_mem>>)
      %dma_wait3A = tpu.memref_slice %arg3[%multiple_of3A] : memref<200704xi32, #tpu.memory_space<hbm>> -> memref<6272xi32, #tpu.memory_space<hbm>>
      %dma_wait3A_15 = tpu.memref_slice %arg3[%multiple_of3A] : memref<200704xi32, #tpu.memory_space<hbm>> -> memref<6272xi32, #tpu.memory_space<hbm>>
      tpu.wait_dma2 semaphore(%run_scoped3A : memref<!tpu.dma_semaphore, #tpu.memory_space<semaphore_mem>>) src(%dma_wait3A_15 : memref<6272xi32, #tpu.memory_space<hbm>>) dst(%arg5 : memref<6272xi32, #tpu.memory_space<vmem>>)
      tpu.yield
    }) : () -> ()
    %multiple_of3A_3 = arith.constant 0 : i32
    %multiple_of3A_4 = tpu.assume_multiple %multiple_of3A_3, 8 : i32
    %dma_start3A = tpu.memref_slice %arg5[%multiple_of3A_4] : memref<6272xi32, #tpu.memory_space<vmem>> -> memref<112xi32, #tpu.memory_space<vmem>>
    %dma_start3A_5 = arith.constant 0 : i32
    %dma_start3A_6 = arith.constant 0 : i32
    %dma_start3A_7 = tpu.memref_slice %arg2[%dma_start3A_5, %dma_start3A_6] : memref<50086x128xf32, #tpu.memory_space<hbm>> -> memref<50086x128xf32, #tpu.memory_space<hbm>>
    tpu.enqueue_indirect_dma source(%dma_start3A_7 : memref<50086x128xf32, #tpu.memory_space<hbm>>) target(%arg6 : memref<112x128xf32, #tpu.memory_space<vmem>>) offsets(%dma_start3A : memref<112xi32, #tpu.memory_space<vmem>>) semaphore(%arg8 : memref<!tpu.dma_semaphore, #tpu.memory_space<semaphore_mem>>)
    %scan3A = arith.constant 0 : i32
    %scan3A_8 = arith.constant 0 : i32
    %scan3A_9 = arith.constant 28 : i32
    %scan3A_10 = arith.addi %scan3A_8, %scan3A_9 : i32
    %scan3A_11 = arith.constant 1 : i32
    scf.for %scan3A_13 = %scan3A_8 to %scan3A_10 step %scan3A_11  : i32 {
      %mul3A_14 = arith.constant 2 : i32
      %mul3A_15 = arith.muli %mul3A_14, %scan3A_13 : i32
      %add3A_16 = arith.constant 1 : i32
      %add3A_17 = arith.addi %mul3A_15, %add3A_16 : i32
      %mul3A_18 = arith.constant 112 : i32
      %mul3A_19 = arith.muli %add3A_17, %mul3A_18 : i32
      %multiple_of3A_20 = tpu.assume_multiple %mul3A_19, 8 : i32
      %dma_start3A_21 = tpu.memref_slice %arg5[%multiple_of3A_20] : memref<6272xi32, #tpu.memory_space<vmem>> -> memref<112xi32, #tpu.memory_space<vmem>>
      %dma_start3A_22 = arith.constant 0 : i32
      %dma_start3A_23 = arith.constant 0 : i32
      %dma_start3A_24 = tpu.memref_slice %arg2[%dma_start3A_22, %dma_start3A_23] : memref<50086x128xf32, #tpu.memory_space<hbm>> -> memref<50086x128xf32, #tpu.memory_space<hbm>>
      tpu.enqueue_indirect_dma source(%dma_start3A_24 : memref<50086x128xf32, #tpu.memory_space<hbm>>) target(%arg7 : memref<112x128xf32, #tpu.memory_space<vmem>>) offsets(%dma_start3A_21 : memref<112xi32, #tpu.memory_space<vmem>>) semaphore(%arg9 : memref<!tpu.dma_semaphore, #tpu.memory_space<semaphore_mem>>)
      %mul3A_25 = arith.constant 112 : i32
      %mul3A_26 = arith.muli %mul3A_15, %mul3A_25 : i32
      %multiple_of3A_27 = tpu.assume_multiple %mul3A_26, 8 : i32
      %dma_wait3A = tpu.memref_slice %arg5[%multiple_of3A_27] : memref<6272xi32, #tpu.memory_space<vmem>> -> memref<112xi32, #tpu.memory_space<vmem>>
      %dma_wait3A_28 = arith.constant 0 : i32
      %dma_wait3A_29 = arith.constant 0 : i32
      %dma_wait3A_30 = tpu.memref_slice %arg2[%dma_wait3A_28, %dma_wait3A_29] : memref<50086x128xf32, #tpu.memory_space<hbm>> -> memref<50086x128xf32, #tpu.memory_space<hbm>>
      tpu.wait_indirect_dma semaphore(%arg8 : memref<!tpu.dma_semaphore, #tpu.memory_space<semaphore_mem>>) src(%dma_wait3A_30 : memref<50086x128xf32, #tpu.memory_space<hbm>>) dst(%arg6 : memref<112x128xf32, #tpu.memory_space<vmem>>)
      %add3A_31 = arith.addi %multiple_of3A, %multiple_of3A_27 : i32
      "tpu.region"() ({
        %run_scoped3A = tpu.sem_alloc : memref<!tpu.dma_semaphore, #tpu.memory_space<semaphore_mem>>
        %dma_start3A_44 = arith.constant 0 : i32
        %dma_start3A_45 = tpu.memref_slice %arg4[%add3A_31, %dma_start3A_44] : memref<200704x128xf32, #tpu.memory_space<hbm>> -> memref<112x128xf32, #tpu.memory_space<hbm>>
        %dma_start3A_46 = arith.constant 0 : i32
        %dma_start3A_47 = tpu.memref_slice %arg4[%add3A_31, %dma_start3A_46] : memref<200704x128xf32, #tpu.memory_space<hbm>> -> memref<112x128xf32, #tpu.memory_space<hbm>>
        tpu.enqueue_dma source(%arg6 : memref<112x128xf32, #tpu.memory_space<vmem>>) target(%dma_start3A_47 : memref<112x128xf32, #tpu.memory_space<hbm>>) target_semaphore(%run_scoped3A : memref<!tpu.dma_semaphore, #tpu.memory_space<semaphore_mem>>)
        %dma_wait3A_48 = arith.constant 0 : i32
        %dma_wait3A_49 = tpu.memref_slice %arg4[%add3A_31, %dma_wait3A_48] : memref<200704x128xf32, #tpu.memory_space<hbm>> -> memref<112x128xf32, #tpu.memory_space<hbm>>
        %dma_wait3A_50 = arith.constant 0 : i32
        %dma_wait3A_51 = tpu.memref_slice %arg4[%add3A_31, %dma_wait3A_50] : memref<200704x128xf32, #tpu.memory_space<hbm>> -> memref<112x128xf32, #tpu.memory_space<hbm>>
        tpu.wait_dma2 semaphore(%run_scoped3A : memref<!tpu.dma_semaphore, #tpu.memory_space<semaphore_mem>>) src(%arg6 : memref<112x128xf32, #tpu.memory_space<vmem>>) dst(%dma_wait3A_51 : memref<112x128xf32, #tpu.memory_space<hbm>>)
        tpu.yield
      }) : () -> ()
      %lt3A = arith.constant 27 : i32
      %lt3A_32 = arith.cmpi slt, %scan3A_13, %lt3A : i32
      %convert_element_type3A = arith.extui %lt3A_32 : i1 to i32
      %cond3A = arith.constant 0 : i32
      %cond3A_33 = arith.cmpi ne, %convert_element_type3A, %cond3A : i32
      scf.if %cond3A_33 {
        %add3A_44 = arith.constant 2 : i32
        %add3A_45 = arith.addi %mul3A_15, %add3A_44 : i32
        %mul3A_46 = arith.constant 112 : i32
        %mul3A_47 = arith.muli %add3A_45, %mul3A_46 : i32
        %multiple_of3A_48 = tpu.assume_multiple %mul3A_47, 8 : i32
        %dma_start3A_49 = tpu.memref_slice %arg5[%multiple_of3A_48] : memref<6272xi32, #tpu.memory_space<vmem>> -> memref<112xi32, #tpu.memory_space<vmem>>
        %dma_start3A_50 = arith.constant 0 : i32
        %dma_start3A_51 = arith.constant 0 : i32
        %dma_start3A_52 = tpu.memref_slice %arg2[%dma_start3A_50, %dma_start3A_51] : memref<50086x128xf32, #tpu.memory_space<hbm>> -> memref<50086x128xf32, #tpu.memory_space<hbm>>
        tpu.enqueue_indirect_dma source(%dma_start3A_52 : memref<50086x128xf32, #tpu.memory_space<hbm>>) target(%arg6 : memref<112x128xf32, #tpu.memory_space<vmem>>) offsets(%dma_start3A_49 : memref<112xi32, #tpu.memory_space<vmem>>) semaphore(%arg8 : memref<!tpu.dma_semaphore, #tpu.memory_space<semaphore_mem>>)
      } else {
      }
      %add3A_34 = arith.constant 1 : i32
      %add3A_35 = arith.addi %mul3A_15, %add3A_34 : i32
      %mul3A_36 = arith.constant 112 : i32
      %mul3A_37 = arith.muli %add3A_35, %mul3A_36 : i32
      %multiple_of3A_38 = tpu.assume_multiple %mul3A_37, 8 : i32
      %dma_wait3A_39 = tpu.memref_slice %arg5[%multiple_of3A_38] : memref<6272xi32, #tpu.memory_space<vmem>> -> memref<112xi32, #tpu.memory_space<vmem>>
      %dma_wait3A_40 = arith.constant 0 : i32
      %dma_wait3A_41 = arith.constant 0 : i32
      %dma_wait3A_42 = tpu.memref_slice %arg2[%dma_wait3A_40, %dma_wait3A_41] : memref<50086x128xf32, #tpu.memory_space<hbm>> -> memref<50086x128xf32, #tpu.memory_space<hbm>>
      tpu.wait_indirect_dma semaphore(%arg9 : memref<!tpu.dma_semaphore, #tpu.memory_space<semaphore_mem>>) src(%dma_wait3A_42 : memref<50086x128xf32, #tpu.memory_space<hbm>>) dst(%arg7 : memref<112x128xf32, #tpu.memory_space<vmem>>)
      %add3A_43 = arith.addi %multiple_of3A, %multiple_of3A_38 : i32
      "tpu.region"() ({
        %run_scoped3A = tpu.sem_alloc : memref<!tpu.dma_semaphore, #tpu.memory_space<semaphore_mem>>
        %dma_start3A_44 = arith.constant 0 : i32
        %dma_start3A_45 = tpu.memref_slice %arg4[%add3A_43, %dma_start3A_44] : memref<200704x128xf32, #tpu.memory_space<hbm>> -> memref<112x128xf32, #tpu.memory_space<hbm>>
        %dma_start3A_46 = arith.constant 0 : i32
        %dma_start3A_47 = tpu.memref_slice %arg4[%add3A_43, %dma_start3A_46] : memref<200704x128xf32, #tpu.memory_space<hbm>> -> memref<112x128xf32, #tpu.memory_space<hbm>>
        tpu.enqueue_dma source(%arg7 : memref<112x128xf32, #tpu.memory_space<vmem>>) target(%dma_start3A_47 : memref<112x128xf32, #tpu.memory_space<hbm>>) target_semaphore(%run_scoped3A : memref<!tpu.dma_semaphore, #tpu.memory_space<semaphore_mem>>)
        %dma_wait3A_48 = arith.constant 0 : i32
        %dma_wait3A_49 = tpu.memref_slice %arg4[%add3A_43, %dma_wait3A_48] : memref<200704x128xf32, #tpu.memory_space<hbm>> -> memref<112x128xf32, #tpu.memory_space<hbm>>
        %dma_wait3A_50 = arith.constant 0 : i32
        %dma_wait3A_51 = tpu.memref_slice %arg4[%add3A_43, %dma_wait3A_50] : memref<200704x128xf32, #tpu.memory_space<hbm>> -> memref<112x128xf32, #tpu.memory_space<hbm>>
        tpu.wait_dma2 semaphore(%run_scoped3A : memref<!tpu.dma_semaphore, #tpu.memory_space<semaphore_mem>>) src(%arg7 : memref<112x128xf32, #tpu.memory_space<vmem>>) dst(%dma_wait3A_51 : memref<112x128xf32, #tpu.memory_space<hbm>>)
        tpu.yield
      }) : () -> ()
    }
    %scan3A_12 = arith.constant 28 : i32
    return
  }
}

#map = affine_map<(d0, d1) -> (0, 0)>
#map1 = affine_map<(d0, d1) -> (0)>
module attributes {stable_mosaic.version = 14 : i64} {
  func.func @gather_k(%arg0: i32, %arg1: i32, %arg2: memref<50176x128xf32, #tpu.memory_space<hbm>>, %arg3: memref<200704xi32, #tpu.memory_space<hbm>>, %arg4: memref<200704x128xf32, #tpu.memory_space<hbm>>, %arg5: memref<6272xi32, #tpu.memory_space<vmem>>, %arg6: memref<112x128xf32, #tpu.memory_space<vmem>>, %arg7: memref<112x128xf32, #tpu.memory_space<vmem>>, %arg8: memref<!tpu.dma_semaphore, #tpu.memory_space<semaphore_mem>>, %arg9: memref<!tpu.dma_semaphore, #tpu.memory_space<semaphore_mem>>) attributes {dimension_semantics = [#tpu.dimension_semantics<core_parallel>, #tpu.dimension_semantics<subcore_parallel>], iteration_bounds = array<i64: 2, 16>, scalar_prefetch = 0 : i64, scratch_operands = 5 : i64, tpu.core_type = #tpu.core_type<sc_vector_subcore>, window_params = [{transform_indices = #map}, {transform_indices = #map1}, {transform_indices = #map}]} {
    %mul3A = arith.constant 2 : i32
    %mul3A_0 = arith.muli %arg1, %mul3A : i32
    %add3A = arith.addi %mul3A_0, %arg0 : i32
    %mul3A_1 = arith.constant 6272 : i32
    %mul3A_2 = arith.muli %add3A, %mul3A_1 : i32
    %multiple_of3A = tpu.assume_multiple %mul3A_2, 8 : i32
    "tpu.region"() ({
      %run_scoped3A = tpu.sem_alloc : memref<!tpu.dma_semaphore, #tpu.memory_space<semaphore_mem>>
      %dma_start3A_13 = tpu.memref_slice %arg3[%multiple_of3A] : memref<200704xi32, #tpu.memory_space<hbm>> -> memref<6272xi32, #tpu.memory_space<hbm>>
      %dma_start3A_14 = tpu.memref_slice %arg3[%multiple_of3A] : memref<200704xi32, #tpu.memory_space<hbm>> -> memref<6272xi32, #tpu.memory_space<hbm>>
      tpu.enqueue_dma source(%dma_start3A_14 : memref<6272xi32, #tpu.memory_space<hbm>>) target(%arg5 : memref<6272xi32, #tpu.memory_space<vmem>>) target_semaphore(%run_scoped3A : memref<!tpu.dma_semaphore, #tpu.memory_space<semaphore_mem>>)
      %dma_wait3A = tpu.memref_slice %arg3[%multiple_of3A] : memref<200704xi32, #tpu.memory_space<hbm>> -> memref<6272xi32, #tpu.memory_space<hbm>>
      %dma_wait3A_15 = tpu.memref_slice %arg3[%multiple_of3A] : memref<200704xi32, #tpu.memory_space<hbm>> -> memref<6272xi32, #tpu.memory_space<hbm>>
      tpu.wait_dma2 semaphore(%run_scoped3A : memref<!tpu.dma_semaphore, #tpu.memory_space<semaphore_mem>>) src(%dma_wait3A_15 : memref<6272xi32, #tpu.memory_space<hbm>>) dst(%arg5 : memref<6272xi32, #tpu.memory_space<vmem>>)
      tpu.yield
    }) : () -> ()
    %multiple_of3A_3 = arith.constant 0 : i32
    %multiple_of3A_4 = tpu.assume_multiple %multiple_of3A_3, 8 : i32
    %dma_start3A = tpu.memref_slice %arg5[%multiple_of3A_4] : memref<6272xi32, #tpu.memory_space<vmem>> -> memref<112xi32, #tpu.memory_space<vmem>>
    %dma_start3A_5 = arith.constant 0 : i32
    %dma_start3A_6 = arith.constant 0 : i32
    %dma_start3A_7 = tpu.memref_slice %arg2[%dma_start3A_5, %dma_start3A_6] : memref<50176x128xf32, #tpu.memory_space<hbm>> -> memref<50176x128xf32, #tpu.memory_space<hbm>>
    tpu.enqueue_indirect_dma source(%dma_start3A_7 : memref<50176x128xf32, #tpu.memory_space<hbm>>) target(%arg6 : memref<112x128xf32, #tpu.memory_space<vmem>>) offsets(%dma_start3A : memref<112xi32, #tpu.memory_space<vmem>>) semaphore(%arg8 : memref<!tpu.dma_semaphore, #tpu.memory_space<semaphore_mem>>)
    %scan3A = arith.constant 0 : i32
    %scan3A_8 = arith.constant 0 : i32
    %scan3A_9 = arith.constant 28 : i32
    %scan3A_10 = arith.addi %scan3A_8, %scan3A_9 : i32
    %scan3A_11 = arith.constant 1 : i32
    scf.for %scan3A_13 = %scan3A_8 to %scan3A_10 step %scan3A_11  : i32 {
      %mul3A_14 = arith.constant 2 : i32
      %mul3A_15 = arith.muli %mul3A_14, %scan3A_13 : i32
      %add3A_16 = arith.constant 1 : i32
      %add3A_17 = arith.addi %mul3A_15, %add3A_16 : i32
      %mul3A_18 = arith.constant 112 : i32
      %mul3A_19 = arith.muli %add3A_17, %mul3A_18 : i32
      %multiple_of3A_20 = tpu.assume_multiple %mul3A_19, 8 : i32
      %dma_start3A_21 = tpu.memref_slice %arg5[%multiple_of3A_20] : memref<6272xi32, #tpu.memory_space<vmem>> -> memref<112xi32, #tpu.memory_space<vmem>>
      %dma_start3A_22 = arith.constant 0 : i32
      %dma_start3A_23 = arith.constant 0 : i32
      %dma_start3A_24 = tpu.memref_slice %arg2[%dma_start3A_22, %dma_start3A_23] : memref<50176x128xf32, #tpu.memory_space<hbm>> -> memref<50176x128xf32, #tpu.memory_space<hbm>>
      tpu.enqueue_indirect_dma source(%dma_start3A_24 : memref<50176x128xf32, #tpu.memory_space<hbm>>) target(%arg7 : memref<112x128xf32, #tpu.memory_space<vmem>>) offsets(%dma_start3A_21 : memref<112xi32, #tpu.memory_space<vmem>>) semaphore(%arg9 : memref<!tpu.dma_semaphore, #tpu.memory_space<semaphore_mem>>)
      %mul3A_25 = arith.constant 112 : i32
      %mul3A_26 = arith.muli %mul3A_15, %mul3A_25 : i32
      %multiple_of3A_27 = tpu.assume_multiple %mul3A_26, 8 : i32
      %dma_wait3A = tpu.memref_slice %arg5[%multiple_of3A_27] : memref<6272xi32, #tpu.memory_space<vmem>> -> memref<112xi32, #tpu.memory_space<vmem>>
      %dma_wait3A_28 = arith.constant 0 : i32
      %dma_wait3A_29 = arith.constant 0 : i32
      %dma_wait3A_30 = tpu.memref_slice %arg2[%dma_wait3A_28, %dma_wait3A_29] : memref<50176x128xf32, #tpu.memory_space<hbm>> -> memref<50176x128xf32, #tpu.memory_space<hbm>>
      tpu.wait_indirect_dma semaphore(%arg8 : memref<!tpu.dma_semaphore, #tpu.memory_space<semaphore_mem>>) src(%dma_wait3A_30 : memref<50176x128xf32, #tpu.memory_space<hbm>>) dst(%arg6 : memref<112x128xf32, #tpu.memory_space<vmem>>)
      %add3A_31 = arith.addi %multiple_of3A, %multiple_of3A_27 : i32
      "tpu.region"() ({
        %run_scoped3A = tpu.sem_alloc : memref<!tpu.dma_semaphore, #tpu.memory_space<semaphore_mem>>
        %dma_start3A_44 = arith.constant 0 : i32
        %dma_start3A_45 = tpu.memref_slice %arg4[%add3A_31, %dma_start3A_44] : memref<200704x128xf32, #tpu.memory_space<hbm>> -> memref<112x128xf32, #tpu.memory_space<hbm>>
        %dma_start3A_46 = arith.constant 0 : i32
        %dma_start3A_47 = tpu.memref_slice %arg4[%add3A_31, %dma_start3A_46] : memref<200704x128xf32, #tpu.memory_space<hbm>> -> memref<112x128xf32, #tpu.memory_space<hbm>>
        tpu.enqueue_dma source(%arg6 : memref<112x128xf32, #tpu.memory_space<vmem>>) target(%dma_start3A_47 : memref<112x128xf32, #tpu.memory_space<hbm>>) target_semaphore(%run_scoped3A : memref<!tpu.dma_semaphore, #tpu.memory_space<semaphore_mem>>)
        %dma_wait3A_48 = arith.constant 0 : i32
        %dma_wait3A_49 = tpu.memref_slice %arg4[%add3A_31, %dma_wait3A_48] : memref<200704x128xf32, #tpu.memory_space<hbm>> -> memref<112x128xf32, #tpu.memory_space<hbm>>
        %dma_wait3A_50 = arith.constant 0 : i32
        %dma_wait3A_51 = tpu.memref_slice %arg4[%add3A_31, %dma_wait3A_50] : memref<200704x128xf32, #tpu.memory_space<hbm>> -> memref<112x128xf32, #tpu.memory_space<hbm>>
        tpu.wait_dma2 semaphore(%run_scoped3A : memref<!tpu.dma_semaphore, #tpu.memory_space<semaphore_mem>>) src(%arg6 : memref<112x128xf32, #tpu.memory_space<vmem>>) dst(%dma_wait3A_51 : memref<112x128xf32, #tpu.memory_space<hbm>>)
        tpu.yield
      }) : () -> ()
      %lt3A = arith.constant 27 : i32
      %lt3A_32 = arith.cmpi slt, %scan3A_13, %lt3A : i32
      %convert_element_type3A = arith.extui %lt3A_32 : i1 to i32
      %cond3A = arith.constant 0 : i32
      %cond3A_33 = arith.cmpi ne, %convert_element_type3A, %cond3A : i32
      scf.if %cond3A_33 {
        %add3A_44 = arith.constant 2 : i32
        %add3A_45 = arith.addi %mul3A_15, %add3A_44 : i32
        %mul3A_46 = arith.constant 112 : i32
        %mul3A_47 = arith.muli %add3A_45, %mul3A_46 : i32
        %multiple_of3A_48 = tpu.assume_multiple %mul3A_47, 8 : i32
        %dma_start3A_49 = tpu.memref_slice %arg5[%multiple_of3A_48] : memref<6272xi32, #tpu.memory_space<vmem>> -> memref<112xi32, #tpu.memory_space<vmem>>
        %dma_start3A_50 = arith.constant 0 : i32
        %dma_start3A_51 = arith.constant 0 : i32
        %dma_start3A_52 = tpu.memref_slice %arg2[%dma_start3A_50, %dma_start3A_51] : memref<50176x128xf32, #tpu.memory_space<hbm>> -> memref<50176x128xf32, #tpu.memory_space<hbm>>
        tpu.enqueue_indirect_dma source(%dma_start3A_52 : memref<50176x128xf32, #tpu.memory_space<hbm>>) target(%arg6 : memref<112x128xf32, #tpu.memory_space<vmem>>) offsets(%dma_start3A_49 : memref<112xi32, #tpu.memory_space<vmem>>) semaphore(%arg8 : memref<!tpu.dma_semaphore, #tpu.memory_space<semaphore_mem>>)
      } else {
      }
      %add3A_34 = arith.constant 1 : i32
      %add3A_35 = arith.addi %mul3A_15, %add3A_34 : i32
      %mul3A_36 = arith.constant 112 : i32
      %mul3A_37 = arith.muli %add3A_35, %mul3A_36 : i32
      %multiple_of3A_38 = tpu.assume_multiple %mul3A_37, 8 : i32
      %dma_wait3A_39 = tpu.memref_slice %arg5[%multiple_of3A_38] : memref<6272xi32, #tpu.memory_space<vmem>> -> memref<112xi32, #tpu.memory_space<vmem>>
      %dma_wait3A_40 = arith.constant 0 : i32
      %dma_wait3A_41 = arith.constant 0 : i32
      %dma_wait3A_42 = tpu.memref_slice %arg2[%dma_wait3A_40, %dma_wait3A_41] : memref<50176x128xf32, #tpu.memory_space<hbm>> -> memref<50176x128xf32, #tpu.memory_space<hbm>>
      tpu.wait_indirect_dma semaphore(%arg9 : memref<!tpu.dma_semaphore, #tpu.memory_space<semaphore_mem>>) src(%dma_wait3A_42 : memref<50176x128xf32, #tpu.memory_space<hbm>>) dst(%arg7 : memref<112x128xf32, #tpu.memory_space<vmem>>)
      %add3A_43 = arith.addi %multiple_of3A, %multiple_of3A_38 : i32
      "tpu.region"() ({
        %run_scoped3A = tpu.sem_alloc : memref<!tpu.dma_semaphore, #tpu.memory_space<semaphore_mem>>
        %dma_start3A_44 = arith.constant 0 : i32
        %dma_start3A_45 = tpu.memref_slice %arg4[%add3A_43, %dma_start3A_44] : memref<200704x128xf32, #tpu.memory_space<hbm>> -> memref<112x128xf32, #tpu.memory_space<hbm>>
        %dma_start3A_46 = arith.constant 0 : i32
        %dma_start3A_47 = tpu.memref_slice %arg4[%add3A_43, %dma_start3A_46] : memref<200704x128xf32, #tpu.memory_space<hbm>> -> memref<112x128xf32, #tpu.memory_space<hbm>>
        tpu.enqueue_dma source(%arg7 : memref<112x128xf32, #tpu.memory_space<vmem>>) target(%dma_start3A_47 : memref<112x128xf32, #tpu.memory_space<hbm>>) target_semaphore(%run_scoped3A : memref<!tpu.dma_semaphore, #tpu.memory_space<semaphore_mem>>)
        %dma_wait3A_48 = arith.constant 0 : i32
        %dma_wait3A_49 = tpu.memref_slice %arg4[%add3A_43, %dma_wait3A_48] : memref<200704x128xf32, #tpu.memory_space<hbm>> -> memref<112x128xf32, #tpu.memory_space<hbm>>
        %dma_wait3A_50 = arith.constant 0 : i32
        %dma_wait3A_51 = tpu.memref_slice %arg4[%add3A_43, %dma_wait3A_50] : memref<200704x128xf32, #tpu.memory_space<hbm>> -> memref<112x128xf32, #tpu.memory_space<hbm>>
        tpu.wait_dma2 semaphore(%run_scoped3A : memref<!tpu.dma_semaphore, #tpu.memory_space<semaphore_mem>>) src(%arg7 : memref<112x128xf32, #tpu.memory_space<vmem>>) dst(%dma_wait3A_51 : memref<112x128xf32, #tpu.memory_space<hbm>>)
        tpu.yield
      }) : () -> ()
    }
    %scan3A_12 = arith.constant 28 : i32
    return
  }
}

module attributes {stable_mosaic.version = 14 : i64} {
  func.func @body(%arg0: i32, %arg1: memref<512x128xf32, #tpu.memory_space<vmem>>, %arg2: memref<4x512x128xf32, #tpu.memory_space<vmem>>, %arg3: memref<512x16xf32, #tpu.memory_space<vmem>>, %arg4: memref<8x16xf32, #tpu.memory_space<vmem>>, %arg5: memref<8x16xf32, #tpu.memory_space<vmem>>, %arg6: memref<5x128x128xbf16, #tpu.memory_space<vmem>>, %arg7: memref<128x512xbf16, #tpu.memory_space<vmem>>, %arg8: memref<1x512xf32, #tpu.memory_space<vmem>>, %arg9: memref<512x128xbf16, #tpu.memory_space<vmem>>, %arg10: memref<1x128xf32, #tpu.memory_space<vmem>>, %arg11: memref<1x128xf32, #tpu.memory_space<vmem>>, %arg12: memref<1x128xf32, #tpu.memory_space<vmem>>, %arg13: memref<1x128xf32, #tpu.memory_space<vmem>>, %arg14: memref<1x128xf32, #tpu.memory_space<vmem>>, %arg15: memref<512x128xf32, #tpu.memory_space<vmem>>) attributes {dimension_semantics = [#tpu.dimension_semantics<arbitrary>], iteration_bounds = array<i64: 98>, scalar_prefetch = 0 : i64, scratch_operands = 0 : i64, tpu.core_type = #tpu.core_type<tc>, window_params = [{transform_indices = @transform_0, window_bounds = array<i64: 512, 128>}, {transform_indices = @transform_1, window_bounds = array<i64: 4, 512, 128>}, {transform_indices = @transform_2, window_bounds = array<i64: 512, 16>}, {pipeline_mode = #tpu.pipeline_mode<synchronous>, transform_indices = @transform_3, window_bounds = array<i64: 8, 16>}, {pipeline_mode = #tpu.pipeline_mode<synchronous>, transform_indices = @transform_4, window_bounds = array<i64: 8, 16>}, {pipeline_mode = #tpu.pipeline_mode<synchronous>, transform_indices = @transform_5, window_bounds = array<i64: 5, 128, 128>}, {pipeline_mode = #tpu.pipeline_mode<synchronous>, transform_indices = @transform_6, window_bounds = array<i64: 128, 512>}, {pipeline_mode = #tpu.pipeline_mode<synchronous>, transform_indices = @transform_7, window_bounds = array<i64: 1, 512>}, {pipeline_mode = #tpu.pipeline_mode<synchronous>, transform_indices = @transform_8, window_bounds = array<i64: 512, 128>}, {pipeline_mode = #tpu.pipeline_mode<synchronous>, transform_indices = @transform_9, window_bounds = array<i64: 1, 128>}, {pipeline_mode = #tpu.pipeline_mode<synchronous>, transform_indices = @transform_10, window_bounds = array<i64: 1, 128>}, {pipeline_mode = #tpu.pipeline_mode<synchronous>, transform_indices = @transform_11, window_bounds = array<i64: 1, 128>}, {pipeline_mode = #tpu.pipeline_mode<synchronous>, transform_indices = @transform_12, window_bounds = array<i64: 1, 128>}, {pipeline_mode = #tpu.pipeline_mode<synchronous>, transform_indices = @transform_13, window_bounds = array<i64: 1, 128>}, {transform_indices = @transform_14, window_bounds = array<i64: 512, 128>}]} {
    %get3A = arith.constant 0 : index
    %get3A_0 = arith.constant 0 : index
    %get3A_1 = vector.load %arg1[%get3A, %get3A_0] : memref<512x128xf32, #tpu.memory_space<vmem>>, vector<512x128xf32>
    %convert_element_type3A = arith.truncf %get3A_1 : vector<512x128xf32> to vector<512x128xbf16>
    %get3A_2 = arith.constant 0 : index
    %get3A_3 = arith.constant 0 : index
    %get3A_4 = vector.load %arg3[%get3A_2, %get3A_3] : memref<512x16xf32, #tpu.memory_space<vmem>>, vector<512x16xf32>
    %get3A_5 = arith.constant 0 : index
    %get3A_6 = arith.constant 0 : index
    %get3A_7 = vector.load %arg4[%get3A_5, %get3A_6] : memref<8x16xf32, #tpu.memory_space<vmem>>, vector<1x16xf32>
    %sub3A = vector.broadcast %get3A_7 : vector<1x16xf32> to vector<512x16xf32>
    %sub3A_8 = arith.subf %get3A_4, %sub3A : vector<512x16xf32>
    %exp3A = math.exp %sub3A_8 : vector<512x16xf32>
    %get3A_9 = arith.constant 0 : index
    %get3A_10 = arith.constant 0 : index
    %get3A_11 = vector.load %arg5[%get3A_9, %get3A_10] : memref<8x16xf32, #tpu.memory_space<vmem>>, vector<1x16xf32>
    %div3A = vector.broadcast %get3A_11 : vector<1x16xf32> to vector<512x16xf32>
    %div3A_12 = arith.divf %exp3A, %div3A : vector<512x16xf32>
    %get3A_13 = arith.constant 0 : index
    %get3A_14 = arith.constant 0 : index
    %get3A_15 = arith.constant 0 : index
    %get3A_16 = vector.load %arg6[%get3A_13, %get3A_14, %get3A_15] : memref<5x128x128xbf16, #tpu.memory_space<vmem>>, vector<1x128x128xbf16>
    %get3A_17 = vector.shape_cast %get3A_16 : vector<1x128x128xbf16> to vector<128x128xbf16>
    %dot_general3A = arith.constant dense<0.000000e+00> : vector<512x128xf32>
    %dot_general3A_18 = tpu.matmul %convert_element_type3A, %get3A_17, %dot_general3A {dimension_numbers = #tpu.dot_dimension_numbers<[1], [0], [0], [1], [0, 0, 1, 1], [], []>, transpose_lhs_hint = false} : vector<512x128xbf16>, vector<128x128xbf16>, vector<512x128xf32> -> vector<512x128xf32>
    %get3A_19 = arith.constant 0 : index
    %get3A_20 = arith.constant 0 : index
    %get3A_21 = arith.constant 0 : index
    %get3A_22 = vector.load %arg2[%get3A_19, %get3A_20, %get3A_21] : memref<4x512x128xf32, #tpu.memory_space<vmem>>, vector<1x512x128xf32>
    %get3A_23 = vector.shape_cast %get3A_22 : vector<1x512x128xf32> to vector<512x128xf32>
    %convert_element_type3A_24 = arith.truncf %get3A_23 : vector<512x128xf32> to vector<512x128xbf16>
    %get3A_25 = arith.constant 1 : index
    %get3A_26 = arith.constant 0 : index
    %get3A_27 = arith.constant 0 : index
    %get3A_28 = vector.load %arg6[%get3A_25, %get3A_26, %get3A_27] : memref<5x128x128xbf16, #tpu.memory_space<vmem>>, vector<1x128x128xbf16>
    %get3A_29 = vector.shape_cast %get3A_28 : vector<1x128x128xbf16> to vector<128x128xbf16>
    %dot_general3A_30 = arith.constant dense<0.000000e+00> : vector<512x128xf32>
    %dot_general3A_31 = tpu.matmul %convert_element_type3A_24, %get3A_29, %dot_general3A_30 {dimension_numbers = #tpu.dot_dimension_numbers<[1], [0], [0], [1], [0, 0, 1, 1], [], []>, transpose_lhs_hint = false} : vector<512x128xbf16>, vector<128x128xbf16>, vector<512x128xf32> -> vector<512x128xf32>
    %get3A_32 = arith.constant 1 : index
    %get3A_33 = arith.constant 0 : index
    %get3A_34 = arith.constant 0 : index
    %get3A_35 = vector.load %arg2[%get3A_32, %get3A_33, %get3A_34] : memref<4x512x128xf32, #tpu.memory_space<vmem>>, vector<1x512x128xf32>
    %get3A_36 = vector.shape_cast %get3A_35 : vector<1x512x128xf32> to vector<512x128xf32>
    %convert_element_type3A_37 = arith.truncf %get3A_36 : vector<512x128xf32> to vector<512x128xbf16>
    %get3A_38 = arith.constant 2 : index
    %get3A_39 = arith.constant 0 : index
    %get3A_40 = arith.constant 0 : index
    %get3A_41 = vector.load %arg6[%get3A_38, %get3A_39, %get3A_40] : memref<5x128x128xbf16, #tpu.memory_space<vmem>>, vector<1x128x128xbf16>
    %get3A_42 = vector.shape_cast %get3A_41 : vector<1x128x128xbf16> to vector<128x128xbf16>
    %dot_general3A_43 = arith.constant dense<0.000000e+00> : vector<512x128xf32>
    %dot_general3A_44 = tpu.matmul %convert_element_type3A_37, %get3A_42, %dot_general3A_43 {dimension_numbers = #tpu.dot_dimension_numbers<[1], [0], [0], [1], [0, 0, 1, 1], [], []>, transpose_lhs_hint = false} : vector<512x128xbf16>, vector<128x128xbf16>, vector<512x128xf32> -> vector<512x128xf32>
    %get3A_45 = arith.constant 2 : index
    %get3A_46 = arith.constant 0 : index
    %get3A_47 = arith.constant 0 : index
    %get3A_48 = vector.load %arg2[%get3A_45, %get3A_46, %get3A_47] : memref<4x512x128xf32, #tpu.memory_space<vmem>>, vector<1x512x128xf32>
    %get3A_49 = vector.shape_cast %get3A_48 : vector<1x512x128xf32> to vector<512x128xf32>
    %convert_element_type3A_50 = arith.truncf %get3A_49 : vector<512x128xf32> to vector<512x128xbf16>
    %get3A_51 = arith.constant 3 : index
    %get3A_52 = arith.constant 0 : index
    %get3A_53 = arith.constant 0 : index
    %get3A_54 = vector.load %arg6[%get3A_51, %get3A_52, %get3A_53] : memref<5x128x128xbf16, #tpu.memory_space<vmem>>, vector<1x128x128xbf16>
    %get3A_55 = vector.shape_cast %get3A_54 : vector<1x128x128xbf16> to vector<128x128xbf16>
    %dot_general3A_56 = arith.constant dense<0.000000e+00> : vector<512x128xf32>
    %dot_general3A_57 = tpu.matmul %convert_element_type3A_50, %get3A_55, %dot_general3A_56 {dimension_numbers = #tpu.dot_dimension_numbers<[1], [0], [0], [1], [0, 0, 1, 1], [], []>, transpose_lhs_hint = false} : vector<512x128xbf16>, vector<128x128xbf16>, vector<512x128xf32> -> vector<512x128xf32>
    %get3A_58 = arith.constant 3 : index
    %get3A_59 = arith.constant 0 : index
    %get3A_60 = arith.constant 0 : index
    %get3A_61 = vector.load %arg2[%get3A_58, %get3A_59, %get3A_60] : memref<4x512x128xf32, #tpu.memory_space<vmem>>, vector<1x512x128xf32>
    %get3A_62 = vector.shape_cast %get3A_61 : vector<1x512x128xf32> to vector<512x128xf32>
    %convert_element_type3A_63 = arith.truncf %get3A_62 : vector<512x128xf32> to vector<512x128xbf16>
    %get3A_64 = arith.constant 4 : index
    %get3A_65 = arith.constant 0 : index
    %get3A_66 = arith.constant 0 : index
    %get3A_67 = vector.load %arg6[%get3A_64, %get3A_65, %get3A_66] : memref<5x128x128xbf16, #tpu.memory_space<vmem>>, vector<1x128x128xbf16>
    %get3A_68 = vector.shape_cast %get3A_67 : vector<1x128x128xbf16> to vector<128x128xbf16>
    %dot_general3A_69 = arith.constant dense<0.000000e+00> : vector<512x128xf32>
    %dot_general3A_70 = tpu.matmul %convert_element_type3A_63, %get3A_68, %dot_general3A_69 {dimension_numbers = #tpu.dot_dimension_numbers<[1], [0], [0], [1], [0, 0, 1, 1], [], []>, transpose_lhs_hint = false} : vector<512x128xbf16>, vector<128x128xbf16>, vector<512x128xf32> -> vector<512x128xf32>
    %concatenate3A = tpu.concatenate %dot_general3A_18, %dot_general3A_31, %dot_general3A_44, %dot_general3A_57, %dot_general3A_70 in 1 : vector<512x128xf32>, vector<512x128xf32>, vector<512x128xf32>, vector<512x128xf32>, vector<512x128xf32> -> vector<512x640xf32>
    %iota3A = tpu.iota {dimensions = array<i32: 1>} : vector<16x640xi32>
    %jit3A = arith.constant 64 : i32
    %div3A_71 = vector.broadcast %jit3A : i32 to vector<16x640xi32>
    %div3A_72 = arith.divsi %iota3A, %div3A_71 : vector<16x640xi32>
    %sign3A = arith.constant 0 : i32
    %sign3A_73 = vector.broadcast %sign3A : i32 to vector<16x640xi32>
    %sign3A_74 = arith.cmpi sgt, %iota3A, %sign3A_73 : vector<16x640xi32>
    %sign3A_75 = arith.extui %sign3A_74 : vector<16x640xi1> to vector<16x640xi32>
    %sign3A_76 = arith.constant 0 : i32
    %sign3A_77 = vector.broadcast %sign3A_76 : i32 to vector<16x640xi32>
    %sign3A_78 = arith.cmpi slt, %iota3A, %sign3A_77 : vector<16x640xi32>
    %sign3A_79 = arith.extui %sign3A_78 : vector<16x640xi1> to vector<16x640xi32>
    %sign3A_80 = arith.subi %sign3A_75, %sign3A_79 : vector<16x640xi32>
    %sign3A_81 = arith.constant 0 : i32
    %sign3A_82 = arith.cmpi sgt, %jit3A, %sign3A_81 : i32
    %sign3A_83 = arith.extui %sign3A_82 : i1 to i32
    %sign3A_84 = arith.constant 0 : i32
    %sign3A_85 = arith.cmpi slt, %jit3A, %sign3A_84 : i32
    %sign3A_86 = arith.extui %sign3A_85 : i1 to i32
    %sign3A_87 = arith.subi %sign3A_83, %sign3A_86 : i32
    %ne3A = vector.broadcast %sign3A_87 : i32 to vector<16x640xi32>
    %ne3A_88 = arith.cmpi ne, %sign3A_80, %ne3A : vector<16x640xi32>
    %rem3A = vector.broadcast %jit3A : i32 to vector<16x640xi32>
    %rem3A_89 = arith.remsi %iota3A, %rem3A : vector<16x640xi32>
    %ne3A_90 = arith.constant 0 : i32
    %ne3A_91 = vector.broadcast %ne3A_90 : i32 to vector<16x640xi32>
    %ne3A_92 = arith.cmpi ne, %rem3A_89, %ne3A_91 : vector<16x640xi32>
    %and3A = arith.andi %ne3A_88, %ne3A_92 : vector<16x640xi1>
    %sub3A_93 = arith.constant 1 : i32
    %sub3A_94 = vector.broadcast %sub3A_93 : i32 to vector<16x640xi32>
    %sub3A_95 = arith.subi %div3A_72, %sub3A_94 : vector<16x640xi32>
    %select_n3A = arith.select %and3A, %sub3A_95, %div3A_72 : vector<16x640xi1>, vector<16x640xi32>
    %jit3A_96 = arith.constant 2 : i32
    %eq3A = arith.constant 0 : i32
    %eq3A_97 = arith.cmpi eq, %jit3A_96, %eq3A : i32
    %jit3A_98 = arith.constant 1 : i32
    %select_n3A_99 = arith.select %eq3A_97, %jit3A_98, %jit3A_96 : i32
    %rem3A_100 = vector.broadcast %select_n3A_99 : i32 to vector<16x640xi32>
    %rem3A_101 = arith.remsi %select_n3A, %rem3A_100 : vector<16x640xi32>
    %ne3A_102 = arith.constant 0 : i32
    %ne3A_103 = vector.broadcast %ne3A_102 : i32 to vector<16x640xi32>
    %ne3A_104 = arith.cmpi ne, %rem3A_101, %ne3A_103 : vector<16x640xi32>
    %lt3A = arith.constant 0 : i32
    %lt3A_105 = vector.broadcast %lt3A : i32 to vector<16x640xi32>
    %lt3A_106 = arith.cmpi slt, %rem3A_101, %lt3A_105 : vector<16x640xi32>
    %lt3A_107 = arith.constant 0 : i32
    %lt3A_108 = arith.cmpi slt, %select_n3A_99, %lt3A_107 : i32
    %ne3A_109 = vector.broadcast %lt3A_108 : i1 to vector<16x640xi1>
    %ne3A_110 = vector.broadcast %ne3A_109 : vector<16x640xi1> to vector<16x640xi1>
    %ne3A_111 = arith.xori %lt3A_106, %ne3A_110 : vector<16x640xi1>
    %and3A_112 = arith.andi %ne3A_111, %ne3A_104 : vector<16x640xi1>
    %add3A = vector.broadcast %select_n3A_99 : i32 to vector<16x640xi32>
    %add3A_113 = arith.addi %rem3A_101, %add3A : vector<16x640xi32>
    %select_n3A_114 = arith.select %and3A_112, %add3A_113, %rem3A_101 : vector<16x640xi1>, vector<16x640xi32>
    %mul3A = arith.constant 5 : i32
    %mul3A_115 = vector.broadcast %mul3A : i32 to vector<16x640xi32>
    %mul3A_116 = arith.muli %select_n3A_114, %mul3A_115 : vector<16x640xi32>
    %jit3A_117 = arith.constant 2 : i32
    %div3A_118 = vector.broadcast %jit3A_117 : i32 to vector<16x640xi32>
    %div3A_119 = arith.divsi %select_n3A, %div3A_118 : vector<16x640xi32>
    %sign3A_120 = arith.constant 0 : i32
    %sign3A_121 = vector.broadcast %sign3A_120 : i32 to vector<16x640xi32>
    %sign3A_122 = arith.cmpi sgt, %select_n3A, %sign3A_121 : vector<16x640xi32>
    %sign3A_123 = arith.extui %sign3A_122 : vector<16x640xi1> to vector<16x640xi32>
    %sign3A_124 = arith.constant 0 : i32
    %sign3A_125 = vector.broadcast %sign3A_124 : i32 to vector<16x640xi32>
    %sign3A_126 = arith.cmpi slt, %select_n3A, %sign3A_125 : vector<16x640xi32>
    %sign3A_127 = arith.extui %sign3A_126 : vector<16x640xi1> to vector<16x640xi32>
    %sign3A_128 = arith.subi %sign3A_123, %sign3A_127 : vector<16x640xi32>
    %sign3A_129 = arith.constant 0 : i32
    %sign3A_130 = arith.cmpi sgt, %jit3A_117, %sign3A_129 : i32
    %sign3A_131 = arith.extui %sign3A_130 : i1 to i32
    %sign3A_132 = arith.constant 0 : i32
    %sign3A_133 = arith.cmpi slt, %jit3A_117, %sign3A_132 : i32
    %sign3A_134 = arith.extui %sign3A_133 : i1 to i32
    %sign3A_135 = arith.subi %sign3A_131, %sign3A_134 : i32
    %ne3A_136 = vector.broadcast %sign3A_135 : i32 to vector<16x640xi32>
    %ne3A_137 = arith.cmpi ne, %sign3A_128, %ne3A_136 : vector<16x640xi32>
    %rem3A_138 = vector.broadcast %jit3A_117 : i32 to vector<16x640xi32>
    %rem3A_139 = arith.remsi %select_n3A, %rem3A_138 : vector<16x640xi32>
    %ne3A_140 = arith.constant 0 : i32
    %ne3A_141 = vector.broadcast %ne3A_140 : i32 to vector<16x640xi32>
    %ne3A_142 = arith.cmpi ne, %rem3A_139, %ne3A_141 : vector<16x640xi32>
    %and3A_143 = arith.andi %ne3A_137, %ne3A_142 : vector<16x640xi1>
    %sub3A_144 = arith.constant 1 : i32
    %sub3A_145 = vector.broadcast %sub3A_144 : i32 to vector<16x640xi32>
    %sub3A_146 = arith.subi %div3A_119, %sub3A_145 : vector<16x640xi32>
    %select_n3A_147 = arith.select %and3A_143, %sub3A_146, %div3A_119 : vector<16x640xi1>, vector<16x640xi32>
    %add3A_148 = arith.addi %mul3A_116, %select_n3A_147 : vector<16x640xi32>
    %iota3A_149 = tpu.iota {dimensions = array<i32: 0>} : vector<16x640xi32>
    %eq3A_150 = arith.cmpi eq, %add3A_148, %iota3A_149 : vector<16x640xi32>
    %convert_element_type3A_151 = arith.extui %eq3A_150 : vector<16x640xi1> to vector<16x640xi32>
    %convert_element_type3A_152 = arith.sitofp %convert_element_type3A_151 : vector<16x640xi32> to vector<16x640xf32>
    %dot_general3A_153 = arith.constant dense<0.000000e+00> : vector<512x640xf32>
    %dot_general3A_154 = tpu.matmul %div3A_12, %convert_element_type3A_152, %dot_general3A_153 {dimension_numbers = #tpu.dot_dimension_numbers<[1], [0], [0], [1], [0, 0, 1, 1], [], []>, transpose_lhs_hint = false} : vector<512x16xf32>, vector<16x640xf32>, vector<512x640xf32> -> vector<512x640xf32>
    %mul3A_155 = arith.mulf %concatenate3A, %dot_general3A_154 : vector<512x640xf32>
    %slice3A = vector.extract_strided_slice %mul3A_155 {offsets = [0, 0], sizes = [512, 128], strides = [1, 1]} : vector<512x640xf32> to vector<512x128xf32>
    %slice3A_156 = vector.extract_strided_slice %mul3A_155 {offsets = [0, 128], sizes = [512, 128], strides = [1, 1]} : vector<512x640xf32> to vector<512x128xf32>
    %add3A_157 = arith.addf %slice3A, %slice3A_156 : vector<512x128xf32>
    %slice3A_158 = vector.extract_strided_slice %mul3A_155 {offsets = [0, 256], sizes = [512, 128], strides = [1, 1]} : vector<512x640xf32> to vector<512x128xf32>
    %add3A_159 = arith.addf %add3A_157, %slice3A_158 : vector<512x128xf32>
    %slice3A_160 = vector.extract_strided_slice %mul3A_155 {offsets = [0, 384], sizes = [512, 128], strides = [1, 1]} : vector<512x640xf32> to vector<512x128xf32>
    %add3A_161 = arith.addf %add3A_159, %slice3A_160 : vector<512x128xf32>
    %slice3A_162 = vector.extract_strided_slice %mul3A_155 {offsets = [0, 512], sizes = [512, 128], strides = [1, 1]} : vector<512x640xf32> to vector<512x128xf32>
    %add3A_163 = arith.addf %add3A_161, %slice3A_162 : vector<512x128xf32>
    %add3A_164 = arith.addf %get3A_1, %add3A_163 : vector<512x128xf32>
    %get3A_165 = arith.constant 0 : index
    %get3A_166 = arith.constant 0 : index
    %get3A_167 = vector.load %arg11[%get3A_165, %get3A_166] : memref<1x128xf32, #tpu.memory_space<vmem>>, vector<1x128xf32>
    %get3A_168 = arith.constant 0 : index
    %get3A_169 = arith.constant 0 : index
    %get3A_170 = vector.load %arg12[%get3A_168, %get3A_169] : memref<1x128xf32, #tpu.memory_space<vmem>>, vector<1x128xf32>
    %reduce_sum3A = arith.constant dense<0.000000e+00> : vector<512xf32>
    %reduce_sum3A_171 = vector.multi_reduction <add>, %add3A_164, %reduce_sum3A [1] : vector<512x128xf32> to vector<512xf32>
    %broadcast_in_dim3A = vector.shape_cast %reduce_sum3A_171 : vector<512xf32> to vector<512x1xf32>
    %div3A_172 = arith.constant 1.280000e+02 : f32
    %div3A_173 = vector.broadcast %div3A_172 : f32 to vector<512x1xf32>
    %div3A_174 = arith.divf %broadcast_in_dim3A, %div3A_173 : vector<512x1xf32>
    %sub3A_175 = vector.broadcast %div3A_174 : vector<512x1xf32> to vector<512x128xf32>
    %sub3A_176 = arith.subf %add3A_164, %sub3A_175 : vector<512x128xf32>
    %mul3A_177 = arith.mulf %sub3A_176, %sub3A_176 : vector<512x128xf32>
    %reduce_sum3A_178 = arith.constant dense<0.000000e+00> : vector<512xf32>
    %reduce_sum3A_179 = vector.multi_reduction <add>, %mul3A_177, %reduce_sum3A_178 [1] : vector<512x128xf32> to vector<512xf32>
    %broadcast_in_dim3A_180 = vector.shape_cast %reduce_sum3A_179 : vector<512xf32> to vector<512x1xf32>
    %div3A_181 = arith.constant 1.280000e+02 : f32
    %div3A_182 = vector.broadcast %div3A_181 : f32 to vector<512x1xf32>
    %div3A_183 = arith.divf %broadcast_in_dim3A_180, %div3A_182 : vector<512x1xf32>
    %add3A_184 = arith.constant 9.99999974E-6 : f32
    %add3A_185 = vector.broadcast %add3A_184 : f32 to vector<512x1xf32>
    %add3A_186 = arith.addf %div3A_183, %add3A_185 : vector<512x1xf32>
    %rsqrt3A = math.rsqrt %add3A_186 : vector<512x1xf32>
    %mul3A_187 = vector.broadcast %rsqrt3A : vector<512x1xf32> to vector<512x128xf32>
    %mul3A_188 = arith.mulf %sub3A_176, %mul3A_187 : vector<512x128xf32>
    %mul3A_189 = vector.broadcast %get3A_167 : vector<1x128xf32> to vector<512x128xf32>
    %mul3A_190 = arith.mulf %mul3A_188, %mul3A_189 : vector<512x128xf32>
    %add3A_191 = vector.broadcast %get3A_170 : vector<1x128xf32> to vector<512x128xf32>
    %add3A_192 = arith.addf %mul3A_190, %add3A_191 : vector<512x128xf32>
    %convert_element_type3A_193 = arith.truncf %add3A_192 : vector<512x128xf32> to vector<512x128xbf16>
    %get3A_194 = arith.constant 0 : index
    %get3A_195 = arith.constant 0 : index
    %get3A_196 = vector.load %arg7[%get3A_194, %get3A_195] : memref<128x512xbf16, #tpu.memory_space<vmem>>, vector<128x512xbf16>
    %dot_general3A_197 = arith.constant dense<0.000000e+00> : vector<512x512xf32>
    %dot_general3A_198 = tpu.matmul %convert_element_type3A_193, %get3A_196, %dot_general3A_197 {dimension_numbers = #tpu.dot_dimension_numbers<[1], [0], [0], [1], [0, 0, 1, 1], [], []>, transpose_lhs_hint = false} : vector<512x128xbf16>, vector<128x512xbf16>, vector<512x512xf32> -> vector<512x512xf32>
    %get3A_199 = arith.constant 0 : index
    %get3A_200 = arith.constant 0 : index
    %get3A_201 = vector.load %arg8[%get3A_199, %get3A_200] : memref<1x512xf32, #tpu.memory_space<vmem>>, vector<1x512xf32>
    %add3A_202 = vector.broadcast %get3A_201 : vector<1x512xf32> to vector<512x512xf32>
    %add3A_203 = arith.addf %dot_general3A_198, %add3A_202 : vector<512x512xf32>
    %max3A = arith.constant 0.000000e+00 : f32
    %max3A_204 = vector.broadcast %max3A : f32 to vector<512x512xf32>
    %max3A_205 = arith.maximumf %add3A_203, %max3A_204 : vector<512x512xf32>
    %convert_element_type3A_206 = arith.truncf %max3A_205 : vector<512x512xf32> to vector<512x512xbf16>
    %get3A_207 = arith.constant 0 : index
    %get3A_208 = arith.constant 0 : index
    %get3A_209 = vector.load %arg9[%get3A_207, %get3A_208] : memref<512x128xbf16, #tpu.memory_space<vmem>>, vector<512x128xbf16>
    %dot_general3A_210 = arith.constant dense<0.000000e+00> : vector<512x128xf32>
    %dot_general3A_211 = tpu.matmul %convert_element_type3A_206, %get3A_209, %dot_general3A_210 {dimension_numbers = #tpu.dot_dimension_numbers<[1], [0], [0], [1], [0, 0, 1, 1], [], []>, transpose_lhs_hint = false} : vector<512x512xbf16>, vector<512x128xbf16>, vector<512x128xf32> -> vector<512x128xf32>
    %get3A_212 = arith.constant 0 : index
    %get3A_213 = arith.constant 0 : index
    %get3A_214 = vector.load %arg10[%get3A_212, %get3A_213] : memref<1x128xf32, #tpu.memory_space<vmem>>, vector<1x128xf32>
    %add3A_215 = vector.broadcast %get3A_214 : vector<1x128xf32> to vector<512x128xf32>
    %add3A_216 = arith.addf %dot_general3A_211, %add3A_215 : vector<512x128xf32>
    %add3A_217 = arith.addf %add3A_192, %add3A_216 : vector<512x128xf32>
    %get3A_218 = arith.constant 0 : index
    %get3A_219 = arith.constant 0 : index
    %get3A_220 = vector.load %arg13[%get3A_218, %get3A_219] : memref<1x128xf32, #tpu.memory_space<vmem>>, vector<1x128xf32>
    %get3A_221 = arith.constant 0 : index
    %get3A_222 = arith.constant 0 : index
    %get3A_223 = vector.load %arg14[%get3A_221, %get3A_222] : memref<1x128xf32, #tpu.memory_space<vmem>>, vector<1x128xf32>
    %reduce_sum3A_224 = arith.constant dense<0.000000e+00> : vector<512xf32>
    %reduce_sum3A_225 = vector.multi_reduction <add>, %add3A_217, %reduce_sum3A_224 [1] : vector<512x128xf32> to vector<512xf32>
    %broadcast_in_dim3A_226 = vector.shape_cast %reduce_sum3A_225 : vector<512xf32> to vector<512x1xf32>
    %div3A_227 = arith.constant 1.280000e+02 : f32
    %div3A_228 = vector.broadcast %div3A_227 : f32 to vector<512x1xf32>
    %div3A_229 = arith.divf %broadcast_in_dim3A_226, %div3A_228 : vector<512x1xf32>
    %sub3A_230 = vector.broadcast %div3A_229 : vector<512x1xf32> to vector<512x128xf32>
    %sub3A_231 = arith.subf %add3A_217, %sub3A_230 : vector<512x128xf32>
    %mul3A_232 = arith.mulf %sub3A_231, %sub3A_231 : vector<512x128xf32>
    %reduce_sum3A_233 = arith.constant dense<0.000000e+00> : vector<512xf32>
    %reduce_sum3A_234 = vector.multi_reduction <add>, %mul3A_232, %reduce_sum3A_233 [1] : vector<512x128xf32> to vector<512xf32>
    %broadcast_in_dim3A_235 = vector.shape_cast %reduce_sum3A_234 : vector<512xf32> to vector<512x1xf32>
    %div3A_236 = arith.constant 1.280000e+02 : f32
    %div3A_237 = vector.broadcast %div3A_236 : f32 to vector<512x1xf32>
    %div3A_238 = arith.divf %broadcast_in_dim3A_235, %div3A_237 : vector<512x1xf32>
    %add3A_239 = arith.constant 9.99999974E-6 : f32
    %add3A_240 = vector.broadcast %add3A_239 : f32 to vector<512x1xf32>
    %add3A_241 = arith.addf %div3A_238, %add3A_240 : vector<512x1xf32>
    %rsqrt3A_242 = math.rsqrt %add3A_241 : vector<512x1xf32>
    %mul3A_243 = vector.broadcast %rsqrt3A_242 : vector<512x1xf32> to vector<512x128xf32>
    %mul3A_244 = arith.mulf %sub3A_231, %mul3A_243 : vector<512x128xf32>
    %mul3A_245 = vector.broadcast %get3A_220 : vector<1x128xf32> to vector<512x128xf32>
    %mul3A_246 = arith.mulf %mul3A_244, %mul3A_245 : vector<512x128xf32>
    %add3A_247 = vector.broadcast %get3A_223 : vector<1x128xf32> to vector<512x128xf32>
    %add3A_248 = arith.addf %mul3A_246, %add3A_247 : vector<512x128xf32>
    %mul3A_249 = arith.constant 512 : i32
    %mul3A_250 = arith.muli %arg0, %mul3A_249 : i32
    %iota3A_251 = tpu.iota {dimensions = array<i32: 0>} : vector<512x1xi32>
    %add3A_252 = vector.broadcast %mul3A_250 : i32 to vector<512x1xi32>
    %add3A_253 = arith.addi %add3A_252, %iota3A_251 : vector<512x1xi32>
    %lt3A_254 = arith.constant 50086 : i32
    %lt3A_255 = vector.broadcast %lt3A_254 : i32 to vector<512x1xi32>
    %lt3A_256 = arith.cmpi slt, %add3A_253, %lt3A_255 : vector<512x1xi32>
    %jit3A_257 = arith.constant 0.000000e+00 : f32
    %broadcast_in_dim3A_258 = vector.shape_cast %lt3A_256 : vector<512x1xi1> to vector<512x1xi1>
    %broadcast_in_dim3A_259 = vector.broadcast %broadcast_in_dim3A_258 : vector<512x1xi1> to vector<512x128xi1>
    %broadcast_in_dim3A_260 = vector.broadcast %jit3A_257 : f32 to vector<512x128xf32>
    %select_n3A_261 = arith.select %broadcast_in_dim3A_259, %add3A_248, %broadcast_in_dim3A_260 : vector<512x128xi1>, vector<512x128xf32>
    %swap3A = arith.constant 0 : index
    %swap3A_262 = arith.constant 0 : index
    %swap3A_263 = vector.load %arg15[%swap3A, %swap3A_262] : memref<512x128xf32, #tpu.memory_space<vmem>>, vector<512x128xf32>
    tpu.vector_store %arg15[%swap3A, %swap3A_262], %select_n3A_261 {strides = array<i32>} : memref<512x128xf32, #tpu.memory_space<vmem>>, vector<512x128xf32>,
    return
  }
  func.func @transform_0(%arg0: i32) -> (i32, i32) {
    %c0_i32 = arith.constant 0 : i32
    %c0_i32_0 = arith.constant 0 : i32
    return %arg0, %c0_i32 : i32, i32
  }
  func.func @transform_1(%arg0: i32) -> (i32, i32, i32) {
    %c0_i32 = arith.constant 0 : i32
    %c0_i32_0 = arith.constant 0 : i32
    %c0_i32_1 = arith.constant 0 : i32
    return %c0_i32, %arg0, %c0_i32_0 : i32, i32, i32
  }
  func.func @transform_2(%arg0: i32) -> (i32, i32) {
    %c0_i32 = arith.constant 0 : i32
    %c0_i32_0 = arith.constant 0 : i32
    return %arg0, %c0_i32 : i32, i32
  }
  func.func @transform_3(%arg0: i32) -> (i32, i32) {
    %c0_i32 = arith.constant 0 : i32
    %c0_i32_0 = arith.constant 0 : i32
    %c0_i32_1 = arith.constant 0 : i32
    return %c0_i32, %c0_i32_0 : i32, i32
  }
  func.func @transform_4(%arg0: i32) -> (i32, i32) {
    %c0_i32 = arith.constant 0 : i32
    %c0_i32_0 = arith.constant 0 : i32
    %c0_i32_1 = arith.constant 0 : i32
    return %c0_i32, %c0_i32_0 : i32, i32
  }
  func.func @transform_5(%arg0: i32) -> (i32, i32, i32) {
    %c0_i32 = arith.constant 0 : i32
    %c0_i32_0 = arith.constant 0 : i32
    %c0_i32_1 = arith.constant 0 : i32
    %c0_i32_2 = arith.constant 0 : i32
    return %c0_i32, %c0_i32_0, %c0_i32_1 : i32, i32, i32
  }
  func.func @transform_6(%arg0: i32) -> (i32, i32) {
    %c0_i32 = arith.constant 0 : i32
    %c0_i32_0 = arith.constant 0 : i32
    %c0_i32_1 = arith.constant 0 : i32
    return %c0_i32, %c0_i32_0 : i32, i32
  }
  func.func @transform_7(%arg0: i32) -> (i32, i32) {
    %c0_i32 = arith.constant 0 : i32
    %c0_i32_0 = arith.constant 0 : i32
    %c0_i32_1 = arith.constant 0 : i32
    return %c0_i32, %c0_i32_0 : i32, i32
  }
  func.func @transform_8(%arg0: i32) -> (i32, i32) {
    %c0_i32 = arith.constant 0 : i32
    %c0_i32_0 = arith.constant 0 : i32
    %c0_i32_1 = arith.constant 0 : i32
    return %c0_i32, %c0_i32_0 : i32, i32
  }
  func.func @transform_9(%arg0: i32) -> (i32, i32) {
    %c0_i32 = arith.constant 0 : i32
    %c0_i32_0 = arith.constant 0 : i32
    %c0_i32_1 = arith.constant 0 : i32
    return %c0_i32, %c0_i32_0 : i32, i32
  }
  func.func @transform_10(%arg0: i32) -> (i32, i32) {
    %c0_i32 = arith.constant 0 : i32
    %c0_i32_0 = arith.constant 0 : i32
    %c0_i32_1 = arith.constant 0 : i32
    return %c0_i32, %c0_i32_0 : i32, i32
  }
  func.func @transform_11(%arg0: i32) -> (i32, i32) {
    %c0_i32 = arith.constant 0 : i32
    %c0_i32_0 = arith.constant 0 : i32
    %c0_i32_1 = arith.constant 0 : i32
    return %c0_i32, %c0_i32_0 : i32, i32
  }
  func.func @transform_12(%arg0: i32) -> (i32, i32) {
    %c0_i32 = arith.constant 0 : i32
    %c0_i32_0 = arith.constant 0 : i32
    %c0_i32_1 = arith.constant 0 : i32
    return %c0_i32, %c0_i32_0 : i32, i32
  }
  func.func @transform_13(%arg0: i32) -> (i32, i32) {
    %c0_i32 = arith.constant 0 : i32
    %c0_i32_0 = arith.constant 0 : i32
    %c0_i32_1 = arith.constant 0 : i32
    return %c0_i32, %c0_i32_0 : i32, i32
  }
  func.func @transform_14(%arg0: i32) -> (i32, i32) {
    %c0_i32 = arith.constant 0 : i32
    %c0_i32_0 = arith.constant 0 : i32
    return %arg0, %c0_i32 : i32, i32
  }
}

module attributes {stable_mosaic.version = 14 : i64} {
  func.func @_s2_body(%arg0: i32, %arg1: memref<512x128xf32, #tpu.memory_space<vmem>>, %arg2: memref<4x512x128xf32, #tpu.memory_space<vmem>>, %arg3: memref<128x128xbf16, #tpu.memory_space<vmem>>, %arg4: memref<5x128x128xbf16, #tpu.memory_space<vmem>>, %arg5: memref<512x16xf32, #tpu.memory_space<vmem>>, %arg6: memref<8x16xf32, #tpu.memory_space<vmem>>, %arg7: memref<8x16xf32, #tpu.memory_space<vmem>>, %arg8: memref<8x16xf32, #tpu.memory_space<vmem>>, %arg9: memref<8x16xf32, #tpu.memory_space<vmem>>) attributes {dimension_semantics = [#tpu.dimension_semantics<arbitrary>], iteration_bounds = array<i64: 98>, scalar_prefetch = 0 : i64, scratch_operands = 2 : i64, tpu.core_type = #tpu.core_type<tc>, window_params = [{transform_indices = @transform_0, window_bounds = array<i64: 512, 128>}, {transform_indices = @transform_1, window_bounds = array<i64: 4, 512, 128>}, {pipeline_mode = #tpu.pipeline_mode<synchronous>, transform_indices = @transform_2, window_bounds = array<i64: 128, 128>}, {pipeline_mode = #tpu.pipeline_mode<synchronous>, transform_indices = @transform_3, window_bounds = array<i64: 5, 128, 128>}, {transform_indices = @transform_4, window_bounds = array<i64: 512, 16>}, {pipeline_mode = #tpu.pipeline_mode<synchronous>, transform_indices = @transform_5, window_bounds = array<i64: 8, 16>}, {pipeline_mode = #tpu.pipeline_mode<synchronous>, transform_indices = @transform_6, window_bounds = array<i64: 8, 16>}]} {
    %get3A = arith.constant 0 : index
    %get3A_0 = arith.constant 0 : index
    %get3A_1 = vector.load %arg1[%get3A, %get3A_0] : memref<512x128xf32, #tpu.memory_space<vmem>>, vector<512x128xf32>
    %convert_element_type3A = arith.truncf %get3A_1 : vector<512x128xf32> to vector<512x128xbf16>
    %get3A_2 = arith.constant 0 : index
    %get3A_3 = arith.constant 0 : index
    %get3A_4 = vector.load %arg3[%get3A_2, %get3A_3] : memref<128x128xbf16, #tpu.memory_space<vmem>>, vector<128x128xbf16>
    %dot_general3A = arith.constant dense<0.000000e+00> : vector<512x128xf32>
    %dot_general3A_5 = tpu.matmul %convert_element_type3A, %get3A_4, %dot_general3A {dimension_numbers = #tpu.dot_dimension_numbers<[1], [0], [0], [1], [0, 0, 1, 1], [], []>, transpose_lhs_hint = false} : vector<512x128xbf16>, vector<128x128xbf16>, vector<512x128xf32> -> vector<512x128xf32>
    %get3A_6 = arith.constant 0 : index
    %get3A_7 = arith.constant 0 : index
    %get3A_8 = arith.constant 0 : index
    %get3A_9 = vector.load %arg4[%get3A_6, %get3A_7, %get3A_8] : memref<5x128x128xbf16, #tpu.memory_space<vmem>>, vector<1x128x128xbf16>
    %get3A_10 = vector.shape_cast %get3A_9 : vector<1x128x128xbf16> to vector<128x128xbf16>
    %dot_general3A_11 = arith.constant dense<0.000000e+00> : vector<512x128xf32>
    %dot_general3A_12 = tpu.matmul %convert_element_type3A, %get3A_10, %dot_general3A_11 {dimension_numbers = #tpu.dot_dimension_numbers<[1], [0], [0], [1], [0, 0, 1, 1], [], []>, transpose_lhs_hint = false} : vector<512x128xbf16>, vector<128x128xbf16>, vector<512x128xf32> -> vector<512x128xf32>
    %mul3A = arith.mulf %dot_general3A_5, %dot_general3A_12 : vector<512x128xf32>
    %get3A_13 = arith.constant 0 : index
    %get3A_14 = arith.constant 0 : index
    %get3A_15 = arith.constant 0 : index
    %get3A_16 = vector.load %arg2[%get3A_13, %get3A_14, %get3A_15] : memref<4x512x128xf32, #tpu.memory_space<vmem>>, vector<1x512x128xf32>
    %get3A_17 = vector.shape_cast %get3A_16 : vector<1x512x128xf32> to vector<512x128xf32>
    %convert_element_type3A_18 = arith.truncf %get3A_17 : vector<512x128xf32> to vector<512x128xbf16>
    %get3A_19 = arith.constant 1 : index
    %get3A_20 = arith.constant 0 : index
    %get3A_21 = arith.constant 0 : index
    %get3A_22 = vector.load %arg4[%get3A_19, %get3A_20, %get3A_21] : memref<5x128x128xbf16, #tpu.memory_space<vmem>>, vector<1x128x128xbf16>
    %get3A_23 = vector.shape_cast %get3A_22 : vector<1x128x128xbf16> to vector<128x128xbf16>
    %dot_general3A_24 = arith.constant dense<0.000000e+00> : vector<512x128xf32>
    %dot_general3A_25 = tpu.matmul %convert_element_type3A_18, %get3A_23, %dot_general3A_24 {dimension_numbers = #tpu.dot_dimension_numbers<[1], [0], [0], [1], [0, 0, 1, 1], [], []>, transpose_lhs_hint = false} : vector<512x128xbf16>, vector<128x128xbf16>, vector<512x128xf32> -> vector<512x128xf32>
    %mul3A_26 = arith.mulf %dot_general3A_5, %dot_general3A_25 : vector<512x128xf32>
    %get3A_27 = arith.constant 1 : index
    %get3A_28 = arith.constant 0 : index
    %get3A_29 = arith.constant 0 : index
    %get3A_30 = vector.load %arg2[%get3A_27, %get3A_28, %get3A_29] : memref<4x512x128xf32, #tpu.memory_space<vmem>>, vector<1x512x128xf32>
    %get3A_31 = vector.shape_cast %get3A_30 : vector<1x512x128xf32> to vector<512x128xf32>
    %convert_element_type3A_32 = arith.truncf %get3A_31 : vector<512x128xf32> to vector<512x128xbf16>
    %get3A_33 = arith.constant 2 : index
    %get3A_34 = arith.constant 0 : index
    %get3A_35 = arith.constant 0 : index
    %get3A_36 = vector.load %arg4[%get3A_33, %get3A_34, %get3A_35] : memref<5x128x128xbf16, #tpu.memory_space<vmem>>, vector<1x128x128xbf16>
    %get3A_37 = vector.shape_cast %get3A_36 : vector<1x128x128xbf16> to vector<128x128xbf16>
    %dot_general3A_38 = arith.constant dense<0.000000e+00> : vector<512x128xf32>
    %dot_general3A_39 = tpu.matmul %convert_element_type3A_32, %get3A_37, %dot_general3A_38 {dimension_numbers = #tpu.dot_dimension_numbers<[1], [0], [0], [1], [0, 0, 1, 1], [], []>, transpose_lhs_hint = false} : vector<512x128xbf16>, vector<128x128xbf16>, vector<512x128xf32> -> vector<512x128xf32>
    %mul3A_40 = arith.mulf %dot_general3A_5, %dot_general3A_39 : vector<512x128xf32>
    %get3A_41 = arith.constant 2 : index
    %get3A_42 = arith.constant 0 : index
    %get3A_43 = arith.constant 0 : index
    %get3A_44 = vector.load %arg2[%get3A_41, %get3A_42, %get3A_43] : memref<4x512x128xf32, #tpu.memory_space<vmem>>, vector<1x512x128xf32>
    %get3A_45 = vector.shape_cast %get3A_44 : vector<1x512x128xf32> to vector<512x128xf32>
    %convert_element_type3A_46 = arith.truncf %get3A_45 : vector<512x128xf32> to vector<512x128xbf16>
    %get3A_47 = arith.constant 3 : index
    %get3A_48 = arith.constant 0 : index
    %get3A_49 = arith.constant 0 : index
    %get3A_50 = vector.load %arg4[%get3A_47, %get3A_48, %get3A_49] : memref<5x128x128xbf16, #tpu.memory_space<vmem>>, vector<1x128x128xbf16>
    %get3A_51 = vector.shape_cast %get3A_50 : vector<1x128x128xbf16> to vector<128x128xbf16>
    %dot_general3A_52 = arith.constant dense<0.000000e+00> : vector<512x128xf32>
    %dot_general3A_53 = tpu.matmul %convert_element_type3A_46, %get3A_51, %dot_general3A_52 {dimension_numbers = #tpu.dot_dimension_numbers<[1], [0], [0], [1], [0, 0, 1, 1], [], []>, transpose_lhs_hint = false} : vector<512x128xbf16>, vector<128x128xbf16>, vector<512x128xf32> -> vector<512x128xf32>
    %mul3A_54 = arith.mulf %dot_general3A_5, %dot_general3A_53 : vector<512x128xf32>
    %get3A_55 = arith.constant 3 : index
    %get3A_56 = arith.constant 0 : index
    %get3A_57 = arith.constant 0 : index
    %get3A_58 = vector.load %arg2[%get3A_55, %get3A_56, %get3A_57] : memref<4x512x128xf32, #tpu.memory_space<vmem>>, vector<1x512x128xf32>
    %get3A_59 = vector.shape_cast %get3A_58 : vector<1x512x128xf32> to vector<512x128xf32>
    %convert_element_type3A_60 = arith.truncf %get3A_59 : vector<512x128xf32> to vector<512x128xbf16>
    %get3A_61 = arith.constant 4 : index
    %get3A_62 = arith.constant 0 : index
    %get3A_63 = arith.constant 0 : index
    %get3A_64 = vector.load %arg4[%get3A_61, %get3A_62, %get3A_63] : memref<5x128x128xbf16, #tpu.memory_space<vmem>>, vector<1x128x128xbf16>
    %get3A_65 = vector.shape_cast %get3A_64 : vector<1x128x128xbf16> to vector<128x128xbf16>
    %dot_general3A_66 = arith.constant dense<0.000000e+00> : vector<512x128xf32>
    %dot_general3A_67 = tpu.matmul %convert_element_type3A_60, %get3A_65, %dot_general3A_66 {dimension_numbers = #tpu.dot_dimension_numbers<[1], [0], [0], [1], [0, 0, 1, 1], [], []>, transpose_lhs_hint = false} : vector<512x128xbf16>, vector<128x128xbf16>, vector<512x128xf32> -> vector<512x128xf32>
    %mul3A_68 = arith.mulf %dot_general3A_5, %dot_general3A_67 : vector<512x128xf32>
    %concatenate3A = tpu.concatenate %mul3A, %mul3A_26, %mul3A_40, %mul3A_54, %mul3A_68 in 1 : vector<512x128xf32>, vector<512x128xf32>, vector<512x128xf32>, vector<512x128xf32>, vector<512x128xf32> -> vector<512x640xf32>
    %iota3A = tpu.iota {dimensions = array<i32: 0>} : vector<640x16xi32>
    %jit3A = arith.constant 64 : i32
    %div3A = vector.broadcast %jit3A : i32 to vector<640x16xi32>
    %div3A_69 = arith.divsi %iota3A, %div3A : vector<640x16xi32>
    %sign3A = arith.constant 0 : i32
    %sign3A_70 = vector.broadcast %sign3A : i32 to vector<640x16xi32>
    %sign3A_71 = arith.cmpi sgt, %iota3A, %sign3A_70 : vector<640x16xi32>
    %sign3A_72 = arith.extui %sign3A_71 : vector<640x16xi1> to vector<640x16xi32>
    %sign3A_73 = arith.constant 0 : i32
    %sign3A_74 = vector.broadcast %sign3A_73 : i32 to vector<640x16xi32>
    %sign3A_75 = arith.cmpi slt, %iota3A, %sign3A_74 : vector<640x16xi32>
    %sign3A_76 = arith.extui %sign3A_75 : vector<640x16xi1> to vector<640x16xi32>
    %sign3A_77 = arith.subi %sign3A_72, %sign3A_76 : vector<640x16xi32>
    %sign3A_78 = arith.constant 0 : i32
    %sign3A_79 = arith.cmpi sgt, %jit3A, %sign3A_78 : i32
    %sign3A_80 = arith.extui %sign3A_79 : i1 to i32
    %sign3A_81 = arith.constant 0 : i32
    %sign3A_82 = arith.cmpi slt, %jit3A, %sign3A_81 : i32
    %sign3A_83 = arith.extui %sign3A_82 : i1 to i32
    %sign3A_84 = arith.subi %sign3A_80, %sign3A_83 : i32
    %ne3A = vector.broadcast %sign3A_84 : i32 to vector<640x16xi32>
    %ne3A_85 = arith.cmpi ne, %sign3A_77, %ne3A : vector<640x16xi32>
    %rem3A = vector.broadcast %jit3A : i32 to vector<640x16xi32>
    %rem3A_86 = arith.remsi %iota3A, %rem3A : vector<640x16xi32>
    %ne3A_87 = arith.constant 0 : i32
    %ne3A_88 = vector.broadcast %ne3A_87 : i32 to vector<640x16xi32>
    %ne3A_89 = arith.cmpi ne, %rem3A_86, %ne3A_88 : vector<640x16xi32>
    %and3A = arith.andi %ne3A_85, %ne3A_89 : vector<640x16xi1>
    %sub3A = arith.constant 1 : i32
    %sub3A_90 = vector.broadcast %sub3A : i32 to vector<640x16xi32>
    %sub3A_91 = arith.subi %div3A_69, %sub3A_90 : vector<640x16xi32>
    %select_n3A = arith.select %and3A, %sub3A_91, %div3A_69 : vector<640x16xi1>, vector<640x16xi32>
    %jit3A_92 = arith.constant 2 : i32
    %eq3A = arith.constant 0 : i32
    %eq3A_93 = arith.cmpi eq, %jit3A_92, %eq3A : i32
    %jit3A_94 = arith.constant 1 : i32
    %select_n3A_95 = arith.select %eq3A_93, %jit3A_94, %jit3A_92 : i32
    %rem3A_96 = vector.broadcast %select_n3A_95 : i32 to vector<640x16xi32>
    %rem3A_97 = arith.remsi %select_n3A, %rem3A_96 : vector<640x16xi32>
    %ne3A_98 = arith.constant 0 : i32
    %ne3A_99 = vector.broadcast %ne3A_98 : i32 to vector<640x16xi32>
    %ne3A_100 = arith.cmpi ne, %rem3A_97, %ne3A_99 : vector<640x16xi32>
    %lt3A = arith.constant 0 : i32
    %lt3A_101 = vector.broadcast %lt3A : i32 to vector<640x16xi32>
    %lt3A_102 = arith.cmpi slt, %rem3A_97, %lt3A_101 : vector<640x16xi32>
    %lt3A_103 = arith.constant 0 : i32
    %lt3A_104 = arith.cmpi slt, %select_n3A_95, %lt3A_103 : i32
    %ne3A_105 = vector.broadcast %lt3A_104 : i1 to vector<640x16xi1>
    %ne3A_106 = vector.broadcast %ne3A_105 : vector<640x16xi1> to vector<640x16xi1>
    %ne3A_107 = arith.xori %lt3A_102, %ne3A_106 : vector<640x16xi1>
    %and3A_108 = arith.andi %ne3A_107, %ne3A_100 : vector<640x16xi1>
    %add3A = vector.broadcast %select_n3A_95 : i32 to vector<640x16xi32>
    %add3A_109 = arith.addi %rem3A_97, %add3A : vector<640x16xi32>
    %select_n3A_110 = arith.select %and3A_108, %add3A_109, %rem3A_97 : vector<640x16xi1>, vector<640x16xi32>
    %mul3A_111 = arith.constant 5 : i32
    %mul3A_112 = vector.broadcast %mul3A_111 : i32 to vector<640x16xi32>
    %mul3A_113 = arith.muli %select_n3A_110, %mul3A_112 : vector<640x16xi32>
    %jit3A_114 = arith.constant 2 : i32
    %div3A_115 = vector.broadcast %jit3A_114 : i32 to vector<640x16xi32>
    %div3A_116 = arith.divsi %select_n3A, %div3A_115 : vector<640x16xi32>
    %sign3A_117 = arith.constant 0 : i32
    %sign3A_118 = vector.broadcast %sign3A_117 : i32 to vector<640x16xi32>
    %sign3A_119 = arith.cmpi sgt, %select_n3A, %sign3A_118 : vector<640x16xi32>
    %sign3A_120 = arith.extui %sign3A_119 : vector<640x16xi1> to vector<640x16xi32>
    %sign3A_121 = arith.constant 0 : i32
    %sign3A_122 = vector.broadcast %sign3A_121 : i32 to vector<640x16xi32>
    %sign3A_123 = arith.cmpi slt, %select_n3A, %sign3A_122 : vector<640x16xi32>
    %sign3A_124 = arith.extui %sign3A_123 : vector<640x16xi1> to vector<640x16xi32>
    %sign3A_125 = arith.subi %sign3A_120, %sign3A_124 : vector<640x16xi32>
    %sign3A_126 = arith.constant 0 : i32
    %sign3A_127 = arith.cmpi sgt, %jit3A_114, %sign3A_126 : i32
    %sign3A_128 = arith.extui %sign3A_127 : i1 to i32
    %sign3A_129 = arith.constant 0 : i32
    %sign3A_130 = arith.cmpi slt, %jit3A_114, %sign3A_129 : i32
    %sign3A_131 = arith.extui %sign3A_130 : i1 to i32
    %sign3A_132 = arith.subi %sign3A_128, %sign3A_131 : i32
    %ne3A_133 = vector.broadcast %sign3A_132 : i32 to vector<640x16xi32>
    %ne3A_134 = arith.cmpi ne, %sign3A_125, %ne3A_133 : vector<640x16xi32>
    %rem3A_135 = vector.broadcast %jit3A_114 : i32 to vector<640x16xi32>
    %rem3A_136 = arith.remsi %select_n3A, %rem3A_135 : vector<640x16xi32>
    %ne3A_137 = arith.constant 0 : i32
    %ne3A_138 = vector.broadcast %ne3A_137 : i32 to vector<640x16xi32>
    %ne3A_139 = arith.cmpi ne, %rem3A_136, %ne3A_138 : vector<640x16xi32>
    %and3A_140 = arith.andi %ne3A_134, %ne3A_139 : vector<640x16xi1>
    %sub3A_141 = arith.constant 1 : i32
    %sub3A_142 = vector.broadcast %sub3A_141 : i32 to vector<640x16xi32>
    %sub3A_143 = arith.subi %div3A_116, %sub3A_142 : vector<640x16xi32>
    %select_n3A_144 = arith.select %and3A_140, %sub3A_143, %div3A_116 : vector<640x16xi1>, vector<640x16xi32>
    %add3A_145 = arith.addi %mul3A_113, %select_n3A_144 : vector<640x16xi32>
    %iota3A_146 = tpu.iota {dimensions = array<i32: 1>} : vector<640x16xi32>
    %eq3A_147 = arith.cmpi eq, %add3A_145, %iota3A_146 : vector<640x16xi32>
    %convert_element_type3A_148 = arith.extui %eq3A_147 : vector<640x16xi1> to vector<640x16xi32>
    %convert_element_type3A_149 = arith.sitofp %convert_element_type3A_148 : vector<640x16xi32> to vector<640x16xf32>
    %dot_general3A_150 = arith.constant dense<0.000000e+00> : vector<512x16xf32>
    %dot_general3A_151 = tpu.matmul %concatenate3A, %convert_element_type3A_149, %dot_general3A_150 {dimension_numbers = #tpu.dot_dimension_numbers<[1], [0], [0], [1], [0, 0, 1, 1], [], []>, transpose_lhs_hint = false} : vector<512x640xf32>, vector<640x16xf32>, vector<512x16xf32> -> vector<512x16xf32>
    %mul3A_152 = arith.constant 1.250000e-01 : f32
    %mul3A_153 = vector.broadcast %mul3A_152 : f32 to vector<512x16xf32>
    %mul3A_154 = arith.mulf %dot_general3A_151, %mul3A_153 : vector<512x16xf32>
    %mul3A_155 = arith.constant 512 : i32
    %mul3A_156 = arith.muli %arg0, %mul3A_155 : i32
    %iota3A_157 = tpu.iota {dimensions = array<i32: 0>} : vector<512x1xi32>
    %add3A_158 = vector.broadcast %mul3A_156 : i32 to vector<512x1xi32>
    %add3A_159 = arith.addi %add3A_158, %iota3A_157 : vector<512x1xi32>
    %lt3A_160 = arith.constant 50086 : i32
    %lt3A_161 = vector.broadcast %lt3A_160 : i32 to vector<512x1xi32>
    %lt3A_162 = arith.cmpi slt, %add3A_159, %lt3A_161 : vector<512x1xi32>
    %jit3A_163 = arith.constant -1.000000e+30 : f32
    %broadcast_in_dim3A = vector.shape_cast %lt3A_162 : vector<512x1xi1> to vector<512x1xi1>
    %broadcast_in_dim3A_164 = vector.broadcast %broadcast_in_dim3A : vector<512x1xi1> to vector<512x16xi1>
    %broadcast_in_dim3A_165 = vector.broadcast %jit3A_163 : f32 to vector<512x16xf32>
    %select_n3A_166 = arith.select %broadcast_in_dim3A_164, %mul3A_154, %broadcast_in_dim3A_165 : vector<512x16xi1>, vector<512x16xf32>
    %swap3A = arith.constant 0 : index
    %swap3A_167 = arith.constant 0 : index
    %swap3A_168 = vector.load %arg5[%swap3A, %swap3A_167] : memref<512x16xf32, #tpu.memory_space<vmem>>, vector<512x16xf32>
    tpu.vector_store %arg5[%swap3A, %swap3A_167], %select_n3A_166 {strides = array<i32>} : memref<512x16xf32, #tpu.memory_space<vmem>>, vector<512x16xf32>,
    %reduce_max3A = arith.constant dense<0xFF800000> : vector<16xf32>
    %reduce_max3A_169 = vector.multi_reduction <maximumf>, %select_n3A_166, %reduce_max3A [0] : vector<512x16xf32> to vector<16xf32>
    %broadcast_in_dim3A_170 = vector.shape_cast %reduce_max3A_169 : vector<16xf32> to vector<1x16xf32>
    %sub3A_171 = vector.broadcast %broadcast_in_dim3A_170 : vector<1x16xf32> to vector<512x16xf32>
    %sub3A_172 = arith.subf %select_n3A_166, %sub3A_171 : vector<512x16xf32>
    %exp3A = math.exp %sub3A_172 : vector<512x16xf32>
    %reduce_sum3A = arith.constant dense<0.000000e+00> : vector<16xf32>
    %reduce_sum3A_173 = vector.multi_reduction <add>, %exp3A, %reduce_sum3A [0] : vector<512x16xf32> to vector<16xf32>
    %broadcast_in_dim3A_174 = vector.shape_cast %reduce_sum3A_173 : vector<16xf32> to vector<1x16xf32>
    %eq3A_175 = arith.constant 0 : i32
    %eq3A_176 = arith.cmpi eq, %arg0, %eq3A_175 : i32
    %convert_element_type3A_177 = arith.extui %eq3A_176 : i1 to i32
    %cond3A = arith.constant 0 : i32
    %cond3A_178 = arith.cmpi ne, %convert_element_type3A_177, %cond3A : i32
    scf.if %cond3A_178 {
      %swap3A_188 = arith.constant 0 : index
      %swap3A_189 = arith.constant 0 : index
      %swap3A_190 = vector.load %arg8[%swap3A_188, %swap3A_189] : memref<8x16xf32, #tpu.memory_space<vmem>>, vector<1x16xf32>
      tpu.vector_store %arg8[%swap3A_188, %swap3A_189], %broadcast_in_dim3A_170 {strides = array<i32>} : memref<8x16xf32, #tpu.memory_space<vmem>>, vector<1x16xf32>,
      %swap3A_191 = arith.constant 0 : index
      %swap3A_192 = arith.constant 0 : index
      %swap3A_193 = vector.load %arg9[%swap3A_191, %swap3A_192] : memref<8x16xf32, #tpu.memory_space<vmem>>, vector<1x16xf32>
      tpu.vector_store %arg9[%swap3A_191, %swap3A_192], %broadcast_in_dim3A_174 {strides = array<i32>} : memref<8x16xf32, #tpu.memory_space<vmem>>, vector<1x16xf32>,
    } else {
    }
    %gt3A = arith.constant 0 : i32
    %gt3A_179 = arith.cmpi sgt, %arg0, %gt3A : i32
    %convert_element_type3A_180 = arith.extui %gt3A_179 : i1 to i32
    %cond3A_181 = arith.constant 0 : i32
    %cond3A_182 = arith.cmpi ne, %convert_element_type3A_180, %cond3A_181 : i32
    scf.if %cond3A_182 {
      %get3A_188 = arith.constant 0 : index
      %get3A_189 = arith.constant 0 : index
      %get3A_190 = vector.load %arg8[%get3A_188, %get3A_189] : memref<8x16xf32, #tpu.memory_space<vmem>>, vector<1x16xf32>
      %get3A_191 = arith.constant 0 : index
      %get3A_192 = arith.constant 0 : index
      %get3A_193 = vector.load %arg9[%get3A_191, %get3A_192] : memref<8x16xf32, #tpu.memory_space<vmem>>, vector<1x16xf32>
      %max3A = arith.maximumf %get3A_190, %broadcast_in_dim3A_170 : vector<1x16xf32>
      %sub3A_194 = arith.subf %get3A_190, %max3A : vector<1x16xf32>
      %exp3A_195 = math.exp %sub3A_194 : vector<1x16xf32>
      %mul3A_196 = arith.mulf %get3A_193, %exp3A_195 : vector<1x16xf32>
      %sub3A_197 = arith.subf %broadcast_in_dim3A_170, %max3A : vector<1x16xf32>
      %exp3A_198 = math.exp %sub3A_197 : vector<1x16xf32>
      %mul3A_199 = arith.mulf %broadcast_in_dim3A_174, %exp3A_198 : vector<1x16xf32>
      %add3A_200 = arith.addf %mul3A_196, %mul3A_199 : vector<1x16xf32>
      %swap3A_201 = arith.constant 0 : index
      %swap3A_202 = arith.constant 0 : index
      %swap3A_203 = vector.load %arg9[%swap3A_201, %swap3A_202] : memref<8x16xf32, #tpu.memory_space<vmem>>, vector<1x16xf32>
      tpu.vector_store %arg9[%swap3A_201, %swap3A_202], %add3A_200 {strides = array<i32>} : memref<8x16xf32, #tpu.memory_space<vmem>>, vector<1x16xf32>,
      %swap3A_204 = arith.constant 0 : index
      %swap3A_205 = arith.constant 0 : index
      %swap3A_206 = vector.load %arg8[%swap3A_204, %swap3A_205] : memref<8x16xf32, #tpu.memory_space<vmem>>, vector<1x16xf32>
      tpu.vector_store %arg8[%swap3A_204, %swap3A_205], %max3A {strides = array<i32>} : memref<8x16xf32, #tpu.memory_space<vmem>>, vector<1x16xf32>,
    } else {
    }
    %eq3A_183 = arith.constant 97 : i32
    %eq3A_184 = arith.cmpi eq, %arg0, %eq3A_183 : i32
    %convert_element_type3A_185 = arith.extui %eq3A_184 : i1 to i32
    %cond3A_186 = arith.constant 0 : i32
    %cond3A_187 = arith.cmpi ne, %convert_element_type3A_185, %cond3A_186 : i32
    scf.if %cond3A_187 {
      %get3A_188 = arith.constant 0 : index
      %get3A_189 = arith.constant 0 : index
      %get3A_190 = vector.load %arg8[%get3A_188, %get3A_189] : memref<8x16xf32, #tpu.memory_space<vmem>>, vector<1x16xf32>
      %broadcast_in_dim3A_191 = vector.shape_cast %get3A_190 : vector<1x16xf32> to vector<1x16xf32>
      %broadcast_in_dim3A_192 = vector.broadcast %broadcast_in_dim3A_191 : vector<1x16xf32> to vector<8x16xf32>
      %swap3A_193 = arith.constant 0 : index
      %swap3A_194 = arith.constant 0 : index
      %swap3A_195 = vector.load %arg6[%swap3A_193, %swap3A_194] : memref<8x16xf32, #tpu.memory_space<vmem>>, vector<8x16xf32>
      tpu.vector_store %arg6[%swap3A_193, %swap3A_194], %broadcast_in_dim3A_192 {strides = array<i32>} : memref<8x16xf32, #tpu.memory_space<vmem>>, vector<8x16xf32>,
      %get3A_196 = arith.constant 0 : index
      %get3A_197 = arith.constant 0 : index
      %get3A_198 = vector.load %arg9[%get3A_196, %get3A_197] : memref<8x16xf32, #tpu.memory_space<vmem>>, vector<1x16xf32>
      %broadcast_in_dim3A_199 = vector.shape_cast %get3A_198 : vector<1x16xf32> to vector<1x16xf32>
      %broadcast_in_dim3A_200 = vector.broadcast %broadcast_in_dim3A_199 : vector<1x16xf32> to vector<8x16xf32>
      %swap3A_201 = arith.constant 0 : index
      %swap3A_202 = arith.constant 0 : index
      %swap3A_203 = vector.load %arg7[%swap3A_201, %swap3A_202] : memref<8x16xf32, #tpu.memory_space<vmem>>, vector<8x16xf32>
      tpu.vector_store %arg7[%swap3A_201, %swap3A_202], %broadcast_in_dim3A_200 {strides = array<i32>} : memref<8x16xf32, #tpu.memory_space<vmem>>, vector<8x16xf32>,
    } else {
    }
    return
  }
  func.func @transform_0(%arg0: i32) -> (i32, i32) {
    %c0_i32 = arith.constant 0 : i32
    %c0_i32_0 = arith.constant 0 : i32
    return %arg0, %c0_i32 : i32, i32
  }
  func.func @transform_1(%arg0: i32) -> (i32, i32, i32) {
    %c0_i32 = arith.constant 0 : i32
    %c0_i32_0 = arith.constant 0 : i32
    %c0_i32_1 = arith.constant 0 : i32
    return %c0_i32, %arg0, %c0_i32_0 : i32, i32, i32
  }
  func.func @transform_2(%arg0: i32) -> (i32, i32) {
    %c0_i32 = arith.constant 0 : i32
    %c0_i32_0 = arith.constant 0 : i32
    %c0_i32_1 = arith.constant 0 : i32
    return %c0_i32, %c0_i32_0 : i32, i32
  }
  func.func @transform_3(%arg0: i32) -> (i32, i32, i32) {
    %c0_i32 = arith.constant 0 : i32
    %c0_i32_0 = arith.constant 0 : i32
    %c0_i32_1 = arith.constant 0 : i32
    %c0_i32_2 = arith.constant 0 : i32
    return %c0_i32, %c0_i32_0, %c0_i32_1 : i32, i32, i32
  }
  func.func @transform_4(%arg0: i32) -> (i32, i32) {
    %c0_i32 = arith.constant 0 : i32
    %c0_i32_0 = arith.constant 0 : i32
    return %arg0, %c0_i32 : i32, i32
  }
  func.func @transform_5(%arg0: i32) -> (i32, i32) {
    %c0_i32 = arith.constant 0 : i32
    %c0_i32_0 = arith.constant 0 : i32
    %c0_i32_1 = arith.constant 0 : i32
    return %c0_i32, %c0_i32_0 : i32, i32
  }
  func.func @transform_6(%arg0: i32) -> (i32, i32) {
    %c0_i32 = arith.constant 0 : i32
    %c0_i32_0 = arith.constant 0 : i32
    %c0_i32_1 = arith.constant 0 : i32
    return %c0_i32, %c0_i32_0 : i32, i32
  }
}

module attributes {stable_mosaic.version = 14 : i64} {
  func.func @_s2_body(%arg0: i32, %arg1: memref<512x128xf32, #tpu.memory_space<vmem>>, %arg2: memref<4x512x128xf32, #tpu.memory_space<vmem>>, %arg3: memref<128x128xbf16, #tpu.memory_space<vmem>>, %arg4: memref<5x128x128xbf16, #tpu.memory_space<vmem>>, %arg5: memref<512x16xf32, #tpu.memory_space<vmem>>, %arg6: memref<8x16xf32, #tpu.memory_space<vmem>>, %arg7: memref<8x16xf32, #tpu.memory_space<vmem>>, %arg8: memref<8x16xf32, #tpu.memory_space<vmem>>, %arg9: memref<8x16xf32, #tpu.memory_space<vmem>>) attributes {dimension_semantics = [#tpu.dimension_semantics<arbitrary>], iteration_bounds = array<i64: 98>, scalar_prefetch = 0 : i64, scratch_operands = 2 : i64, tpu.core_type = #tpu.core_type<tc>, window_params = [{transform_indices = @transform_0, window_bounds = array<i64: 512, 128>}, {transform_indices = @transform_1, window_bounds = array<i64: 4, 512, 128>}, {pipeline_mode = #tpu.pipeline_mode<synchronous>, transform_indices = @transform_2, window_bounds = array<i64: 128, 128>}, {pipeline_mode = #tpu.pipeline_mode<synchronous>, transform_indices = @transform_3, window_bounds = array<i64: 5, 128, 128>}, {transform_indices = @transform_4, window_bounds = array<i64: 512, 16>}, {pipeline_mode = #tpu.pipeline_mode<synchronous>, transform_indices = @transform_5, window_bounds = array<i64: 8, 16>}, {pipeline_mode = #tpu.pipeline_mode<synchronous>, transform_indices = @transform_6, window_bounds = array<i64: 8, 16>}]} {
    %get3A = arith.constant 0 : index
    %get3A_0 = arith.constant 0 : index
    %get3A_1 = vector.load %arg1[%get3A, %get3A_0] : memref<512x128xf32, #tpu.memory_space<vmem>>, vector<512x128xf32>
    %convert_element_type3A = arith.truncf %get3A_1 : vector<512x128xf32> to vector<512x128xbf16>
    %get3A_2 = arith.constant 0 : index
    %get3A_3 = arith.constant 0 : index
    %get3A_4 = vector.load %arg3[%get3A_2, %get3A_3] : memref<128x128xbf16, #tpu.memory_space<vmem>>, vector<128x128xbf16>
    %dot_general3A = arith.constant dense<0.000000e+00> : vector<512x128xf32>
    %dot_general3A_5 = tpu.matmul %convert_element_type3A, %get3A_4, %dot_general3A {dimension_numbers = #tpu.dot_dimension_numbers<[1], [0], [0], [1], [0, 0, 1, 1], [], []>, transpose_lhs_hint = false} : vector<512x128xbf16>, vector<128x128xbf16>, vector<512x128xf32> -> vector<512x128xf32>
    %get3A_6 = arith.constant 0 : index
    %get3A_7 = arith.constant 0 : index
    %get3A_8 = arith.constant 0 : index
    %get3A_9 = vector.load %arg4[%get3A_6, %get3A_7, %get3A_8] : memref<5x128x128xbf16, #tpu.memory_space<vmem>>, vector<1x128x128xbf16>
    %get3A_10 = vector.shape_cast %get3A_9 : vector<1x128x128xbf16> to vector<128x128xbf16>
    %dot_general3A_11 = arith.constant dense<0.000000e+00> : vector<512x128xf32>
    %dot_general3A_12 = tpu.matmul %convert_element_type3A, %get3A_10, %dot_general3A_11 {dimension_numbers = #tpu.dot_dimension_numbers<[1], [0], [0], [1], [0, 0, 1, 1], [], []>, transpose_lhs_hint = false} : vector<512x128xbf16>, vector<128x128xbf16>, vector<512x128xf32> -> vector<512x128xf32>
    %mul3A = arith.mulf %dot_general3A_5, %dot_general3A_12 : vector<512x128xf32>
    %get3A_13 = arith.constant 0 : index
    %get3A_14 = arith.constant 0 : index
    %get3A_15 = arith.constant 0 : index
    %get3A_16 = vector.load %arg2[%get3A_13, %get3A_14, %get3A_15] : memref<4x512x128xf32, #tpu.memory_space<vmem>>, vector<1x512x128xf32>
    %get3A_17 = vector.shape_cast %get3A_16 : vector<1x512x128xf32> to vector<512x128xf32>
    %convert_element_type3A_18 = arith.truncf %get3A_17 : vector<512x128xf32> to vector<512x128xbf16>
    %get3A_19 = arith.constant 1 : index
    %get3A_20 = arith.constant 0 : index
    %get3A_21 = arith.constant 0 : index
    %get3A_22 = vector.load %arg4[%get3A_19, %get3A_20, %get3A_21] : memref<5x128x128xbf16, #tpu.memory_space<vmem>>, vector<1x128x128xbf16>
    %get3A_23 = vector.shape_cast %get3A_22 : vector<1x128x128xbf16> to vector<128x128xbf16>
    %dot_general3A_24 = arith.constant dense<0.000000e+00> : vector<512x128xf32>
    %dot_general3A_25 = tpu.matmul %convert_element_type3A_18, %get3A_23, %dot_general3A_24 {dimension_numbers = #tpu.dot_dimension_numbers<[1], [0], [0], [1], [0, 0, 1, 1], [], []>, transpose_lhs_hint = false} : vector<512x128xbf16>, vector<128x128xbf16>, vector<512x128xf32> -> vector<512x128xf32>
    %mul3A_26 = arith.mulf %dot_general3A_5, %dot_general3A_25 : vector<512x128xf32>
    %get3A_27 = arith.constant 1 : index
    %get3A_28 = arith.constant 0 : index
    %get3A_29 = arith.constant 0 : index
    %get3A_30 = vector.load %arg2[%get3A_27, %get3A_28, %get3A_29] : memref<4x512x128xf32, #tpu.memory_space<vmem>>, vector<1x512x128xf32>
    %get3A_31 = vector.shape_cast %get3A_30 : vector<1x512x128xf32> to vector<512x128xf32>
    %convert_element_type3A_32 = arith.truncf %get3A_31 : vector<512x128xf32> to vector<512x128xbf16>
    %get3A_33 = arith.constant 2 : index
    %get3A_34 = arith.constant 0 : index
    %get3A_35 = arith.constant 0 : index
    %get3A_36 = vector.load %arg4[%get3A_33, %get3A_34, %get3A_35] : memref<5x128x128xbf16, #tpu.memory_space<vmem>>, vector<1x128x128xbf16>
    %get3A_37 = vector.shape_cast %get3A_36 : vector<1x128x128xbf16> to vector<128x128xbf16>
    %dot_general3A_38 = arith.constant dense<0.000000e+00> : vector<512x128xf32>
    %dot_general3A_39 = tpu.matmul %convert_element_type3A_32, %get3A_37, %dot_general3A_38 {dimension_numbers = #tpu.dot_dimension_numbers<[1], [0], [0], [1], [0, 0, 1, 1], [], []>, transpose_lhs_hint = false} : vector<512x128xbf16>, vector<128x128xbf16>, vector<512x128xf32> -> vector<512x128xf32>
    %mul3A_40 = arith.mulf %dot_general3A_5, %dot_general3A_39 : vector<512x128xf32>
    %get3A_41 = arith.constant 2 : index
    %get3A_42 = arith.constant 0 : index
    %get3A_43 = arith.constant 0 : index
    %get3A_44 = vector.load %arg2[%get3A_41, %get3A_42, %get3A_43] : memref<4x512x128xf32, #tpu.memory_space<vmem>>, vector<1x512x128xf32>
    %get3A_45 = vector.shape_cast %get3A_44 : vector<1x512x128xf32> to vector<512x128xf32>
    %convert_element_type3A_46 = arith.truncf %get3A_45 : vector<512x128xf32> to vector<512x128xbf16>
    %get3A_47 = arith.constant 3 : index
    %get3A_48 = arith.constant 0 : index
    %get3A_49 = arith.constant 0 : index
    %get3A_50 = vector.load %arg4[%get3A_47, %get3A_48, %get3A_49] : memref<5x128x128xbf16, #tpu.memory_space<vmem>>, vector<1x128x128xbf16>
    %get3A_51 = vector.shape_cast %get3A_50 : vector<1x128x128xbf16> to vector<128x128xbf16>
    %dot_general3A_52 = arith.constant dense<0.000000e+00> : vector<512x128xf32>
    %dot_general3A_53 = tpu.matmul %convert_element_type3A_46, %get3A_51, %dot_general3A_52 {dimension_numbers = #tpu.dot_dimension_numbers<[1], [0], [0], [1], [0, 0, 1, 1], [], []>, transpose_lhs_hint = false} : vector<512x128xbf16>, vector<128x128xbf16>, vector<512x128xf32> -> vector<512x128xf32>
    %mul3A_54 = arith.mulf %dot_general3A_5, %dot_general3A_53 : vector<512x128xf32>
    %get3A_55 = arith.constant 3 : index
    %get3A_56 = arith.constant 0 : index
    %get3A_57 = arith.constant 0 : index
    %get3A_58 = vector.load %arg2[%get3A_55, %get3A_56, %get3A_57] : memref<4x512x128xf32, #tpu.memory_space<vmem>>, vector<1x512x128xf32>
    %get3A_59 = vector.shape_cast %get3A_58 : vector<1x512x128xf32> to vector<512x128xf32>
    %convert_element_type3A_60 = arith.truncf %get3A_59 : vector<512x128xf32> to vector<512x128xbf16>
    %get3A_61 = arith.constant 4 : index
    %get3A_62 = arith.constant 0 : index
    %get3A_63 = arith.constant 0 : index
    %get3A_64 = vector.load %arg4[%get3A_61, %get3A_62, %get3A_63] : memref<5x128x128xbf16, #tpu.memory_space<vmem>>, vector<1x128x128xbf16>
    %get3A_65 = vector.shape_cast %get3A_64 : vector<1x128x128xbf16> to vector<128x128xbf16>
    %dot_general3A_66 = arith.constant dense<0.000000e+00> : vector<512x128xf32>
    %dot_general3A_67 = tpu.matmul %convert_element_type3A_60, %get3A_65, %dot_general3A_66 {dimension_numbers = #tpu.dot_dimension_numbers<[1], [0], [0], [1], [0, 0, 1, 1], [], []>, transpose_lhs_hint = false} : vector<512x128xbf16>, vector<128x128xbf16>, vector<512x128xf32> -> vector<512x128xf32>
    %mul3A_68 = arith.mulf %dot_general3A_5, %dot_general3A_67 : vector<512x128xf32>
    %concatenate3A = tpu.concatenate %mul3A, %mul3A_26, %mul3A_40, %mul3A_54, %mul3A_68 in 1 : vector<512x128xf32>, vector<512x128xf32>, vector<512x128xf32>, vector<512x128xf32>, vector<512x128xf32> -> vector<512x640xf32>
    %iota3A = tpu.iota {dimensions = array<i32: 0>} : vector<640x16xi32>
    %jit3A = arith.constant 64 : i32
    %div3A = vector.broadcast %jit3A : i32 to vector<640x16xi32>
    %div3A_69 = arith.divsi %iota3A, %div3A : vector<640x16xi32>
    %sign3A = arith.constant 0 : i32
    %sign3A_70 = vector.broadcast %sign3A : i32 to vector<640x16xi32>
    %sign3A_71 = arith.cmpi sgt, %iota3A, %sign3A_70 : vector<640x16xi32>
    %sign3A_72 = arith.extui %sign3A_71 : vector<640x16xi1> to vector<640x16xi32>
    %sign3A_73 = arith.constant 0 : i32
    %sign3A_74 = vector.broadcast %sign3A_73 : i32 to vector<640x16xi32>
    %sign3A_75 = arith.cmpi slt, %iota3A, %sign3A_74 : vector<640x16xi32>
    %sign3A_76 = arith.extui %sign3A_75 : vector<640x16xi1> to vector<640x16xi32>
    %sign3A_77 = arith.subi %sign3A_72, %sign3A_76 : vector<640x16xi32>
    %sign3A_78 = arith.constant 0 : i32
    %sign3A_79 = arith.cmpi sgt, %jit3A, %sign3A_78 : i32
    %sign3A_80 = arith.extui %sign3A_79 : i1 to i32
    %sign3A_81 = arith.constant 0 : i32
    %sign3A_82 = arith.cmpi slt, %jit3A, %sign3A_81 : i32
    %sign3A_83 = arith.extui %sign3A_82 : i1 to i32
    %sign3A_84 = arith.subi %sign3A_80, %sign3A_83 : i32
    %ne3A = vector.broadcast %sign3A_84 : i32 to vector<640x16xi32>
    %ne3A_85 = arith.cmpi ne, %sign3A_77, %ne3A : vector<640x16xi32>
    %rem3A = vector.broadcast %jit3A : i32 to vector<640x16xi32>
    %rem3A_86 = arith.remsi %iota3A, %rem3A : vector<640x16xi32>
    %ne3A_87 = arith.constant 0 : i32
    %ne3A_88 = vector.broadcast %ne3A_87 : i32 to vector<640x16xi32>
    %ne3A_89 = arith.cmpi ne, %rem3A_86, %ne3A_88 : vector<640x16xi32>
    %and3A = arith.andi %ne3A_85, %ne3A_89 : vector<640x16xi1>
    %sub3A = arith.constant 1 : i32
    %sub3A_90 = vector.broadcast %sub3A : i32 to vector<640x16xi32>
    %sub3A_91 = arith.subi %div3A_69, %sub3A_90 : vector<640x16xi32>
    %select_n3A = arith.select %and3A, %sub3A_91, %div3A_69 : vector<640x16xi1>, vector<640x16xi32>
    %jit3A_92 = arith.constant 2 : i32
    %eq3A = arith.constant 0 : i32
    %eq3A_93 = arith.cmpi eq, %jit3A_92, %eq3A : i32
    %jit3A_94 = arith.constant 1 : i32
    %select_n3A_95 = arith.select %eq3A_93, %jit3A_94, %jit3A_92 : i32
    %rem3A_96 = vector.broadcast %select_n3A_95 : i32 to vector<640x16xi32>
    %rem3A_97 = arith.remsi %select_n3A, %rem3A_96 : vector<640x16xi32>
    %ne3A_98 = arith.constant 0 : i32
    %ne3A_99 = vector.broadcast %ne3A_98 : i32 to vector<640x16xi32>
    %ne3A_100 = arith.cmpi ne, %rem3A_97, %ne3A_99 : vector<640x16xi32>
    %lt3A = arith.constant 0 : i32
    %lt3A_101 = vector.broadcast %lt3A : i32 to vector<640x16xi32>
    %lt3A_102 = arith.cmpi slt, %rem3A_97, %lt3A_101 : vector<640x16xi32>
    %lt3A_103 = arith.constant 0 : i32
    %lt3A_104 = arith.cmpi slt, %select_n3A_95, %lt3A_103 : i32
    %ne3A_105 = vector.broadcast %lt3A_104 : i1 to vector<640x16xi1>
    %ne3A_106 = vector.broadcast %ne3A_105 : vector<640x16xi1> to vector<640x16xi1>
    %ne3A_107 = arith.xori %lt3A_102, %ne3A_106 : vector<640x16xi1>
    %and3A_108 = arith.andi %ne3A_107, %ne3A_100 : vector<640x16xi1>
    %add3A = vector.broadcast %select_n3A_95 : i32 to vector<640x16xi32>
    %add3A_109 = arith.addi %rem3A_97, %add3A : vector<640x16xi32>
    %select_n3A_110 = arith.select %and3A_108, %add3A_109, %rem3A_97 : vector<640x16xi1>, vector<640x16xi32>
    %mul3A_111 = arith.constant 5 : i32
    %mul3A_112 = vector.broadcast %mul3A_111 : i32 to vector<640x16xi32>
    %mul3A_113 = arith.muli %select_n3A_110, %mul3A_112 : vector<640x16xi32>
    %jit3A_114 = arith.constant 2 : i32
    %div3A_115 = vector.broadcast %jit3A_114 : i32 to vector<640x16xi32>
    %div3A_116 = arith.divsi %select_n3A, %div3A_115 : vector<640x16xi32>
    %sign3A_117 = arith.constant 0 : i32
    %sign3A_118 = vector.broadcast %sign3A_117 : i32 to vector<640x16xi32>
    %sign3A_119 = arith.cmpi sgt, %select_n3A, %sign3A_118 : vector<640x16xi32>
    %sign3A_120 = arith.extui %sign3A_119 : vector<640x16xi1> to vector<640x16xi32>
    %sign3A_121 = arith.constant 0 : i32
    %sign3A_122 = vector.broadcast %sign3A_121 : i32 to vector<640x16xi32>
    %sign3A_123 = arith.cmpi slt, %select_n3A, %sign3A_122 : vector<640x16xi32>
    %sign3A_124 = arith.extui %sign3A_123 : vector<640x16xi1> to vector<640x16xi32>
    %sign3A_125 = arith.subi %sign3A_120, %sign3A_124 : vector<640x16xi32>
    %sign3A_126 = arith.constant 0 : i32
    %sign3A_127 = arith.cmpi sgt, %jit3A_114, %sign3A_126 : i32
    %sign3A_128 = arith.extui %sign3A_127 : i1 to i32
    %sign3A_129 = arith.constant 0 : i32
    %sign3A_130 = arith.cmpi slt, %jit3A_114, %sign3A_129 : i32
    %sign3A_131 = arith.extui %sign3A_130 : i1 to i32
    %sign3A_132 = arith.subi %sign3A_128, %sign3A_131 : i32
    %ne3A_133 = vector.broadcast %sign3A_132 : i32 to vector<640x16xi32>
    %ne3A_134 = arith.cmpi ne, %sign3A_125, %ne3A_133 : vector<640x16xi32>
    %rem3A_135 = vector.broadcast %jit3A_114 : i32 to vector<640x16xi32>
    %rem3A_136 = arith.remsi %select_n3A, %rem3A_135 : vector<640x16xi32>
    %ne3A_137 = arith.constant 0 : i32
    %ne3A_138 = vector.broadcast %ne3A_137 : i32 to vector<640x16xi32>
    %ne3A_139 = arith.cmpi ne, %rem3A_136, %ne3A_138 : vector<640x16xi32>
    %and3A_140 = arith.andi %ne3A_134, %ne3A_139 : vector<640x16xi1>
    %sub3A_141 = arith.constant 1 : i32
    %sub3A_142 = vector.broadcast %sub3A_141 : i32 to vector<640x16xi32>
    %sub3A_143 = arith.subi %div3A_116, %sub3A_142 : vector<640x16xi32>
    %select_n3A_144 = arith.select %and3A_140, %sub3A_143, %div3A_116 : vector<640x16xi1>, vector<640x16xi32>
    %add3A_145 = arith.addi %mul3A_113, %select_n3A_144 : vector<640x16xi32>
    %iota3A_146 = tpu.iota {dimensions = array<i32: 1>} : vector<640x16xi32>
    %eq3A_147 = arith.cmpi eq, %add3A_145, %iota3A_146 : vector<640x16xi32>
    %convert_element_type3A_148 = arith.extui %eq3A_147 : vector<640x16xi1> to vector<640x16xi32>
    %convert_element_type3A_149 = arith.sitofp %convert_element_type3A_148 : vector<640x16xi32> to vector<640x16xf32>
    %dot_general3A_150 = arith.constant dense<0.000000e+00> : vector<512x16xf32>
    %dot_general3A_151 = tpu.matmul %concatenate3A, %convert_element_type3A_149, %dot_general3A_150 {dimension_numbers = #tpu.dot_dimension_numbers<[1], [0], [0], [1], [0, 0, 1, 1], [], []>, transpose_lhs_hint = false} : vector<512x640xf32>, vector<640x16xf32>, vector<512x16xf32> -> vector<512x16xf32>
    %mul3A_152 = arith.constant 1.250000e-01 : f32
    %mul3A_153 = vector.broadcast %mul3A_152 : f32 to vector<512x16xf32>
    %mul3A_154 = arith.mulf %dot_general3A_151, %mul3A_153 : vector<512x16xf32>
    %mul3A_155 = arith.constant 512 : i32
    %mul3A_156 = arith.muli %arg0, %mul3A_155 : i32
    %iota3A_157 = tpu.iota {dimensions = array<i32: 0>} : vector<512x1xi32>
    %add3A_158 = vector.broadcast %mul3A_156 : i32 to vector<512x1xi32>
    %add3A_159 = arith.addi %add3A_158, %iota3A_157 : vector<512x1xi32>
    %lt3A_160 = arith.constant 50086 : i32
    %lt3A_161 = vector.broadcast %lt3A_160 : i32 to vector<512x1xi32>
    %lt3A_162 = arith.cmpi slt, %add3A_159, %lt3A_161 : vector<512x1xi32>
    %jit3A_163 = arith.constant -1.000000e+30 : f32
    %broadcast_in_dim3A = vector.shape_cast %lt3A_162 : vector<512x1xi1> to vector<512x1xi1>
    %broadcast_in_dim3A_164 = vector.broadcast %broadcast_in_dim3A : vector<512x1xi1> to vector<512x16xi1>
    %broadcast_in_dim3A_165 = vector.broadcast %jit3A_163 : f32 to vector<512x16xf32>
    %select_n3A_166 = arith.select %broadcast_in_dim3A_164, %mul3A_154, %broadcast_in_dim3A_165 : vector<512x16xi1>, vector<512x16xf32>
    %swap3A = arith.constant 0 : index
    %swap3A_167 = arith.constant 0 : index
    %swap3A_168 = vector.load %arg5[%swap3A, %swap3A_167] : memref<512x16xf32, #tpu.memory_space<vmem>>, vector<512x16xf32>
    tpu.vector_store %arg5[%swap3A, %swap3A_167], %select_n3A_166 {strides = array<i32>} : memref<512x16xf32, #tpu.memory_space<vmem>>, vector<512x16xf32>,
    %reduce_max3A = arith.constant dense<0xFF800000> : vector<16xf32>
    %reduce_max3A_169 = vector.multi_reduction <maximumf>, %select_n3A_166, %reduce_max3A [0] : vector<512x16xf32> to vector<16xf32>
    %broadcast_in_dim3A_170 = vector.shape_cast %reduce_max3A_169 : vector<16xf32> to vector<1x16xf32>
    %sub3A_171 = vector.broadcast %broadcast_in_dim3A_170 : vector<1x16xf32> to vector<512x16xf32>
    %sub3A_172 = arith.subf %select_n3A_166, %sub3A_171 : vector<512x16xf32>
    %exp3A = math.exp %sub3A_172 : vector<512x16xf32>
    %reduce_sum3A = arith.constant dense<0.000000e+00> : vector<16xf32>
    %reduce_sum3A_173 = vector.multi_reduction <add>, %exp3A, %reduce_sum3A [0] : vector<512x16xf32> to vector<16xf32>
    %broadcast_in_dim3A_174 = vector.shape_cast %reduce_sum3A_173 : vector<16xf32> to vector<1x16xf32>
    %eq3A_175 = arith.constant 0 : i32
    %eq3A_176 = arith.cmpi eq, %arg0, %eq3A_175 : i32
    %convert_element_type3A_177 = arith.extui %eq3A_176 : i1 to i32
    %cond3A = arith.constant 0 : i32
    %cond3A_178 = arith.cmpi ne, %convert_element_type3A_177, %cond3A : i32
    scf.if %cond3A_178 {
      %swap3A_188 = arith.constant 0 : index
      %swap3A_189 = arith.constant 0 : index
      %swap3A_190 = vector.load %arg8[%swap3A_188, %swap3A_189] : memref<8x16xf32, #tpu.memory_space<vmem>>, vector<1x16xf32>
      tpu.vector_store %arg8[%swap3A_188, %swap3A_189], %broadcast_in_dim3A_170 {strides = array<i32>} : memref<8x16xf32, #tpu.memory_space<vmem>>, vector<1x16xf32>,
      %swap3A_191 = arith.constant 0 : index
      %swap3A_192 = arith.constant 0 : index
      %swap3A_193 = vector.load %arg9[%swap3A_191, %swap3A_192] : memref<8x16xf32, #tpu.memory_space<vmem>>, vector<1x16xf32>
      tpu.vector_store %arg9[%swap3A_191, %swap3A_192], %broadcast_in_dim3A_174 {strides = array<i32>} : memref<8x16xf32, #tpu.memory_space<vmem>>, vector<1x16xf32>,
    } else {
    }
    %gt3A = arith.constant 0 : i32
    %gt3A_179 = arith.cmpi sgt, %arg0, %gt3A : i32
    %convert_element_type3A_180 = arith.extui %gt3A_179 : i1 to i32
    %cond3A_181 = arith.constant 0 : i32
    %cond3A_182 = arith.cmpi ne, %convert_element_type3A_180, %cond3A_181 : i32
    scf.if %cond3A_182 {
      %get3A_188 = arith.constant 0 : index
      %get3A_189 = arith.constant 0 : index
      %get3A_190 = vector.load %arg8[%get3A_188, %get3A_189] : memref<8x16xf32, #tpu.memory_space<vmem>>, vector<1x16xf32>
      %get3A_191 = arith.constant 0 : index
      %get3A_192 = arith.constant 0 : index
      %get3A_193 = vector.load %arg9[%get3A_191, %get3A_192] : memref<8x16xf32, #tpu.memory_space<vmem>>, vector<1x16xf32>
      %max3A = arith.maximumf %get3A_190, %broadcast_in_dim3A_170 : vector<1x16xf32>
      %sub3A_194 = arith.subf %get3A_190, %max3A : vector<1x16xf32>
      %exp3A_195 = math.exp %sub3A_194 : vector<1x16xf32>
      %mul3A_196 = arith.mulf %get3A_193, %exp3A_195 : vector<1x16xf32>
      %sub3A_197 = arith.subf %broadcast_in_dim3A_170, %max3A : vector<1x16xf32>
      %exp3A_198 = math.exp %sub3A_197 : vector<1x16xf32>
      %mul3A_199 = arith.mulf %broadcast_in_dim3A_174, %exp3A_198 : vector<1x16xf32>
      %add3A_200 = arith.addf %mul3A_196, %mul3A_199 : vector<1x16xf32>
      %swap3A_201 = arith.constant 0 : index
      %swap3A_202 = arith.constant 0 : index
      %swap3A_203 = vector.load %arg9[%swap3A_201, %swap3A_202] : memref<8x16xf32, #tpu.memory_space<vmem>>, vector<1x16xf32>
      tpu.vector_store %arg9[%swap3A_201, %swap3A_202], %add3A_200 {strides = array<i32>} : memref<8x16xf32, #tpu.memory_space<vmem>>, vector<1x16xf32>,
      %swap3A_204 = arith.constant 0 : index
      %swap3A_205 = arith.constant 0 : index
      %swap3A_206 = vector.load %arg8[%swap3A_204, %swap3A_205] : memref<8x16xf32, #tpu.memory_space<vmem>>, vector<1x16xf32>
      tpu.vector_store %arg8[%swap3A_204, %swap3A_205], %max3A {strides = array<i32>} : memref<8x16xf32, #tpu.memory_space<vmem>>, vector<1x16xf32>,
    } else {
    }
    %eq3A_183 = arith.constant 97 : i32
    %eq3A_184 = arith.cmpi eq, %arg0, %eq3A_183 : i32
    %convert_element_type3A_185 = arith.extui %eq3A_184 : i1 to i32
    %cond3A_186 = arith.constant 0 : i32
    %cond3A_187 = arith.cmpi ne, %convert_element_type3A_185, %cond3A_186 : i32
    scf.if %cond3A_187 {
      %get3A_188 = arith.constant 0 : index
      %get3A_189 = arith.constant 0 : index
      %get3A_190 = vector.load %arg8[%get3A_188, %get3A_189] : memref<8x16xf32, #tpu.memory_space<vmem>>, vector<1x16xf32>
      %broadcast_in_dim3A_191 = vector.shape_cast %get3A_190 : vector<1x16xf32> to vector<1x16xf32>
      %broadcast_in_dim3A_192 = vector.broadcast %broadcast_in_dim3A_191 : vector<1x16xf32> to vector<8x16xf32>
      %swap3A_193 = arith.constant 0 : index
      %swap3A_194 = arith.constant 0 : index
      %swap3A_195 = vector.load %arg6[%swap3A_193, %swap3A_194] : memref<8x16xf32, #tpu.memory_space<vmem>>, vector<8x16xf32>
      tpu.vector_store %arg6[%swap3A_193, %swap3A_194], %broadcast_in_dim3A_192 {strides = array<i32>} : memref<8x16xf32, #tpu.memory_space<vmem>>, vector<8x16xf32>,
      %get3A_196 = arith.constant 0 : index
      %get3A_197 = arith.constant 0 : index
      %get3A_198 = vector.load %arg9[%get3A_196, %get3A_197] : memref<8x16xf32, #tpu.memory_space<vmem>>, vector<1x16xf32>
      %broadcast_in_dim3A_199 = vector.shape_cast %get3A_198 : vector<1x16xf32> to vector<1x16xf32>
      %broadcast_in_dim3A_200 = vector.broadcast %broadcast_in_dim3A_199 : vector<1x16xf32> to vector<8x16xf32>
      %swap3A_201 = arith.constant 0 : index
      %swap3A_202 = arith.constant 0 : index
      %swap3A_203 = vector.load %arg7[%swap3A_201, %swap3A_202] : memref<8x16xf32, #tpu.memory_space<vmem>>, vector<8x16xf32>
      tpu.vector_store %arg7[%swap3A_201, %swap3A_202], %broadcast_in_dim3A_200 {strides = array<i32>} : memref<8x16xf32, #tpu.memory_space<vmem>>, vector<8x16xf32>,
    } else {
    }
    return
  }
  func.func @transform_0(%arg0: i32) -> (i32, i32) {
    %c0_i32 = arith.constant 0 : i32
    %c0_i32_0 = arith.constant 0 : i32
    return %arg0, %c0_i32 : i32, i32
  }
  func.func @transform_1(%arg0: i32) -> (i32, i32, i32) {
    %c0_i32 = arith.constant 0 : i32
    %c0_i32_0 = arith.constant 0 : i32
    %c0_i32_1 = arith.constant 0 : i32
    return %c0_i32, %arg0, %c0_i32_0 : i32, i32, i32
  }
  func.func @transform_2(%arg0: i32) -> (i32, i32) {
    %c0_i32 = arith.constant 0 : i32
    %c0_i32_0 = arith.constant 0 : i32
    %c0_i32_1 = arith.constant 0 : i32
    return %c0_i32, %c0_i32_0 : i32, i32
  }
  func.func @transform_3(%arg0: i32) -> (i32, i32, i32) {
    %c0_i32 = arith.constant 0 : i32
    %c0_i32_0 = arith.constant 0 : i32
    %c0_i32_1 = arith.constant 0 : i32
    %c0_i32_2 = arith.constant 0 : i32
    return %c0_i32, %c0_i32_0, %c0_i32_1 : i32, i32, i32
  }
  func.func @transform_4(%arg0: i32) -> (i32, i32) {
    %c0_i32 = arith.constant 0 : i32
    %c0_i32_0 = arith.constant 0 : i32
    return %arg0, %c0_i32 : i32, i32
  }
  func.func @transform_5(%arg0: i32) -> (i32, i32) {
    %c0_i32 = arith.constant 0 : i32
    %c0_i32_0 = arith.constant 0 : i32
    %c0_i32_1 = arith.constant 0 : i32
    return %c0_i32, %c0_i32_0 : i32, i32
  }
  func.func @transform_6(%arg0: i32) -> (i32, i32) {
    %c0_i32 = arith.constant 0 : i32
    %c0_i32_0 = arith.constant 0 : i32
    %c0_i32_1 = arith.constant 0 : i32
    return %c0_i32, %c0_i32_0 : i32, i32
  }
}

module attributes {stable_mosaic.version = 14 : i64} {
  func.func @body(%arg0: i32, %arg1: memref<512x128xf32, #tpu.memory_space<vmem>>, %arg2: memref<4x512x128xf32, #tpu.memory_space<vmem>>, %arg3: memref<512x16xf32, #tpu.memory_space<vmem>>, %arg4: memref<8x16xf32, #tpu.memory_space<vmem>>, %arg5: memref<8x16xf32, #tpu.memory_space<vmem>>, %arg6: memref<5x128x128xbf16, #tpu.memory_space<vmem>>, %arg7: memref<128x512xbf16, #tpu.memory_space<vmem>>, %arg8: memref<1x512xf32, #tpu.memory_space<vmem>>, %arg9: memref<512x128xbf16, #tpu.memory_space<vmem>>, %arg10: memref<1x128xf32, #tpu.memory_space<vmem>>, %arg11: memref<1x128xf32, #tpu.memory_space<vmem>>, %arg12: memref<1x128xf32, #tpu.memory_space<vmem>>, %arg13: memref<1x128xf32, #tpu.memory_space<vmem>>, %arg14: memref<1x128xf32, #tpu.memory_space<vmem>>, %arg15: memref<8x384xi32, #tpu.memory_space<vmem>>, %arg16: memref<128x16xbf16, #tpu.memory_space<vmem>>, %arg17: memref<1x16xf32, #tpu.memory_space<vmem>>, %arg18: memref<384x128xf32, #tpu.memory_space<vmem>>, %arg19: memref<128x128xf32, #tpu.memory_space<vmem>>, %arg20: memref<1x128xf32, #tpu.memory_space<vmem>>, %arg21: memref<512x16xf32, #tpu.memory_space<vmem>>, %arg22: memref<384x128xf32, #tpu.memory_space<vmem>>, %arg23: memref<384x128xf32, #tpu.memory_space<vmem>>) attributes {dimension_semantics = [#tpu.dimension_semantics<arbitrary>], iteration_bounds = array<i64: 98>, scalar_prefetch = 0 : i64, scratch_operands = 0 : i64, tpu.core_type = #tpu.core_type<tc>, window_params = [{transform_indices = @transform_0, window_bounds = array<i64: 512, 128>}, {transform_indices = @transform_1, window_bounds = array<i64: 4, 512, 128>}, {transform_indices = @transform_2, window_bounds = array<i64: 512, 16>}, {pipeline_mode = #tpu.pipeline_mode<synchronous>, transform_indices = @transform_3, window_bounds = array<i64: 8, 16>}, {pipeline_mode = #tpu.pipeline_mode<synchronous>, transform_indices = @transform_4, window_bounds = array<i64: 8, 16>}, {pipeline_mode = #tpu.pipeline_mode<synchronous>, transform_indices = @transform_5, window_bounds = array<i64: 5, 128, 128>}, {pipeline_mode = #tpu.pipeline_mode<synchronous>, transform_indices = @transform_6, window_bounds = array<i64: 128, 512>}, {pipeline_mode = #tpu.pipeline_mode<synchronous>, transform_indices = @transform_7, window_bounds = array<i64: 1, 512>}, {pipeline_mode = #tpu.pipeline_mode<synchronous>, transform_indices = @transform_8, window_bounds = array<i64: 512, 128>}, {pipeline_mode = #tpu.pipeline_mode<synchronous>, transform_indices = @transform_9, window_bounds = array<i64: 1, 128>}, {pipeline_mode = #tpu.pipeline_mode<synchronous>, transform_indices = @transform_10, window_bounds = array<i64: 1, 128>}, {pipeline_mode = #tpu.pipeline_mode<synchronous>, transform_indices = @transform_11, window_bounds = array<i64: 1, 128>}, {pipeline_mode = #tpu.pipeline_mode<synchronous>, transform_indices = @transform_12, window_bounds = array<i64: 1, 128>}, {pipeline_mode = #tpu.pipeline_mode<synchronous>, transform_indices = @transform_13, window_bounds = array<i64: 1, 128>}, {pipeline_mode = #tpu.pipeline_mode<synchronous>, transform_indices = @transform_14, window_bounds = array<i64: 8, 384>}, {pipeline_mode = #tpu.pipeline_mode<synchronous>, transform_indices = @transform_15, window_bounds = array<i64: 128, 16>}, {pipeline_mode = #tpu.pipeline_mode<synchronous>, transform_indices = @transform_16, window_bounds = array<i64: 1, 16>}, {pipeline_mode = #tpu.pipeline_mode<synchronous>, transform_indices = @transform_17, window_bounds = array<i64: 384, 128>}, {pipeline_mode = #tpu.pipeline_mode<synchronous>, transform_indices = @transform_18, window_bounds = array<i64: 128, 128>}, {pipeline_mode = #tpu.pipeline_mode<synchronous>, transform_indices = @transform_19, window_bounds = array<i64: 1, 128>}, {transform_indices = @transform_20, window_bounds = array<i64: 512, 16>}, {pipeline_mode = #tpu.pipeline_mode<synchronous>, transform_indices = @transform_21, window_bounds = array<i64: 384, 128>}, {pipeline_mode = #tpu.pipeline_mode<synchronous>, transform_indices = @transform_22, window_bounds = array<i64: 384, 128>}]} {
    %get3A = arith.constant 0 : index
    %get3A_0 = arith.constant 0 : index
    %get3A_1 = vector.load %arg1[%get3A, %get3A_0] : memref<512x128xf32, #tpu.memory_space<vmem>>, vector<512x128xf32>
    %convert_element_type3A = arith.truncf %get3A_1 : vector<512x128xf32> to vector<512x128xbf16>
    %get3A_2 = arith.constant 0 : index
    %get3A_3 = arith.constant 0 : index
    %get3A_4 = vector.load %arg3[%get3A_2, %get3A_3] : memref<512x16xf32, #tpu.memory_space<vmem>>, vector<512x16xf32>
    %get3A_5 = arith.constant 0 : index
    %get3A_6 = arith.constant 0 : index
    %get3A_7 = vector.load %arg4[%get3A_5, %get3A_6] : memref<8x16xf32, #tpu.memory_space<vmem>>, vector<1x16xf32>
    %sub3A = vector.broadcast %get3A_7 : vector<1x16xf32> to vector<512x16xf32>
    %sub3A_8 = arith.subf %get3A_4, %sub3A : vector<512x16xf32>
    %exp3A = math.exp %sub3A_8 : vector<512x16xf32>
    %get3A_9 = arith.constant 0 : index
    %get3A_10 = arith.constant 0 : index
    %get3A_11 = vector.load %arg5[%get3A_9, %get3A_10] : memref<8x16xf32, #tpu.memory_space<vmem>>, vector<1x16xf32>
    %div3A = vector.broadcast %get3A_11 : vector<1x16xf32> to vector<512x16xf32>
    %div3A_12 = arith.divf %exp3A, %div3A : vector<512x16xf32>
    %get3A_13 = arith.constant 0 : index
    %get3A_14 = arith.constant 0 : index
    %get3A_15 = arith.constant 0 : index
    %get3A_16 = vector.load %arg6[%get3A_13, %get3A_14, %get3A_15] : memref<5x128x128xbf16, #tpu.memory_space<vmem>>, vector<1x128x128xbf16>
    %get3A_17 = vector.shape_cast %get3A_16 : vector<1x128x128xbf16> to vector<128x128xbf16>
    %dot_general3A = arith.constant dense<0.000000e+00> : vector<512x128xf32>
    %dot_general3A_18 = tpu.matmul %convert_element_type3A, %get3A_17, %dot_general3A {dimension_numbers = #tpu.dot_dimension_numbers<[1], [0], [0], [1], [0, 0, 1, 1], [], []>, transpose_lhs_hint = false} : vector<512x128xbf16>, vector<128x128xbf16>, vector<512x128xf32> -> vector<512x128xf32>
    %get3A_19 = arith.constant 0 : index
    %get3A_20 = arith.constant 0 : index
    %get3A_21 = arith.constant 0 : index
    %get3A_22 = vector.load %arg2[%get3A_19, %get3A_20, %get3A_21] : memref<4x512x128xf32, #tpu.memory_space<vmem>>, vector<1x512x128xf32>
    %get3A_23 = vector.shape_cast %get3A_22 : vector<1x512x128xf32> to vector<512x128xf32>
    %convert_element_type3A_24 = arith.truncf %get3A_23 : vector<512x128xf32> to vector<512x128xbf16>
    %get3A_25 = arith.constant 1 : index
    %get3A_26 = arith.constant 0 : index
    %get3A_27 = arith.constant 0 : index
    %get3A_28 = vector.load %arg6[%get3A_25, %get3A_26, %get3A_27] : memref<5x128x128xbf16, #tpu.memory_space<vmem>>, vector<1x128x128xbf16>
    %get3A_29 = vector.shape_cast %get3A_28 : vector<1x128x128xbf16> to vector<128x128xbf16>
    %dot_general3A_30 = arith.constant dense<0.000000e+00> : vector<512x128xf32>
    %dot_general3A_31 = tpu.matmul %convert_element_type3A_24, %get3A_29, %dot_general3A_30 {dimension_numbers = #tpu.dot_dimension_numbers<[1], [0], [0], [1], [0, 0, 1, 1], [], []>, transpose_lhs_hint = false} : vector<512x128xbf16>, vector<128x128xbf16>, vector<512x128xf32> -> vector<512x128xf32>
    %get3A_32 = arith.constant 1 : index
    %get3A_33 = arith.constant 0 : index
    %get3A_34 = arith.constant 0 : index
    %get3A_35 = vector.load %arg2[%get3A_32, %get3A_33, %get3A_34] : memref<4x512x128xf32, #tpu.memory_space<vmem>>, vector<1x512x128xf32>
    %get3A_36 = vector.shape_cast %get3A_35 : vector<1x512x128xf32> to vector<512x128xf32>
    %convert_element_type3A_37 = arith.truncf %get3A_36 : vector<512x128xf32> to vector<512x128xbf16>
    %get3A_38 = arith.constant 2 : index
    %get3A_39 = arith.constant 0 : index
    %get3A_40 = arith.constant 0 : index
    %get3A_41 = vector.load %arg6[%get3A_38, %get3A_39, %get3A_40] : memref<5x128x128xbf16, #tpu.memory_space<vmem>>, vector<1x128x128xbf16>
    %get3A_42 = vector.shape_cast %get3A_41 : vector<1x128x128xbf16> to vector<128x128xbf16>
    %dot_general3A_43 = arith.constant dense<0.000000e+00> : vector<512x128xf32>
    %dot_general3A_44 = tpu.matmul %convert_element_type3A_37, %get3A_42, %dot_general3A_43 {dimension_numbers = #tpu.dot_dimension_numbers<[1], [0], [0], [1], [0, 0, 1, 1], [], []>, transpose_lhs_hint = false} : vector<512x128xbf16>, vector<128x128xbf16>, vector<512x128xf32> -> vector<512x128xf32>
    %get3A_45 = arith.constant 2 : index
    %get3A_46 = arith.constant 0 : index
    %get3A_47 = arith.constant 0 : index
    %get3A_48 = vector.load %arg2[%get3A_45, %get3A_46, %get3A_47] : memref<4x512x128xf32, #tpu.memory_space<vmem>>, vector<1x512x128xf32>
    %get3A_49 = vector.shape_cast %get3A_48 : vector<1x512x128xf32> to vector<512x128xf32>
    %convert_element_type3A_50 = arith.truncf %get3A_49 : vector<512x128xf32> to vector<512x128xbf16>
    %get3A_51 = arith.constant 3 : index
    %get3A_52 = arith.constant 0 : index
    %get3A_53 = arith.constant 0 : index
    %get3A_54 = vector.load %arg6[%get3A_51, %get3A_52, %get3A_53] : memref<5x128x128xbf16, #tpu.memory_space<vmem>>, vector<1x128x128xbf16>
    %get3A_55 = vector.shape_cast %get3A_54 : vector<1x128x128xbf16> to vector<128x128xbf16>
    %dot_general3A_56 = arith.constant dense<0.000000e+00> : vector<512x128xf32>
    %dot_general3A_57 = tpu.matmul %convert_element_type3A_50, %get3A_55, %dot_general3A_56 {dimension_numbers = #tpu.dot_dimension_numbers<[1], [0], [0], [1], [0, 0, 1, 1], [], []>, transpose_lhs_hint = false} : vector<512x128xbf16>, vector<128x128xbf16>, vector<512x128xf32> -> vector<512x128xf32>
    %get3A_58 = arith.constant 3 : index
    %get3A_59 = arith.constant 0 : index
    %get3A_60 = arith.constant 0 : index
    %get3A_61 = vector.load %arg2[%get3A_58, %get3A_59, %get3A_60] : memref<4x512x128xf32, #tpu.memory_space<vmem>>, vector<1x512x128xf32>
    %get3A_62 = vector.shape_cast %get3A_61 : vector<1x512x128xf32> to vector<512x128xf32>
    %convert_element_type3A_63 = arith.truncf %get3A_62 : vector<512x128xf32> to vector<512x128xbf16>
    %get3A_64 = arith.constant 4 : index
    %get3A_65 = arith.constant 0 : index
    %get3A_66 = arith.constant 0 : index
    %get3A_67 = vector.load %arg6[%get3A_64, %get3A_65, %get3A_66] : memref<5x128x128xbf16, #tpu.memory_space<vmem>>, vector<1x128x128xbf16>
    %get3A_68 = vector.shape_cast %get3A_67 : vector<1x128x128xbf16> to vector<128x128xbf16>
    %dot_general3A_69 = arith.constant dense<0.000000e+00> : vector<512x128xf32>
    %dot_general3A_70 = tpu.matmul %convert_element_type3A_63, %get3A_68, %dot_general3A_69 {dimension_numbers = #tpu.dot_dimension_numbers<[1], [0], [0], [1], [0, 0, 1, 1], [], []>, transpose_lhs_hint = false} : vector<512x128xbf16>, vector<128x128xbf16>, vector<512x128xf32> -> vector<512x128xf32>
    %concatenate3A = tpu.concatenate %dot_general3A_18, %dot_general3A_31, %dot_general3A_44, %dot_general3A_57, %dot_general3A_70 in 1 : vector<512x128xf32>, vector<512x128xf32>, vector<512x128xf32>, vector<512x128xf32>, vector<512x128xf32> -> vector<512x640xf32>
    %iota3A = tpu.iota {dimensions = array<i32: 1>} : vector<16x640xi32>
    %jit3A = arith.constant 64 : i32
    %div3A_71 = vector.broadcast %jit3A : i32 to vector<16x640xi32>
    %div3A_72 = arith.divsi %iota3A, %div3A_71 : vector<16x640xi32>
    %sign3A = arith.constant 0 : i32
    %sign3A_73 = vector.broadcast %sign3A : i32 to vector<16x640xi32>
    %sign3A_74 = arith.cmpi sgt, %iota3A, %sign3A_73 : vector<16x640xi32>
    %sign3A_75 = arith.extui %sign3A_74 : vector<16x640xi1> to vector<16x640xi32>
    %sign3A_76 = arith.constant 0 : i32
    %sign3A_77 = vector.broadcast %sign3A_76 : i32 to vector<16x640xi32>
    %sign3A_78 = arith.cmpi slt, %iota3A, %sign3A_77 : vector<16x640xi32>
    %sign3A_79 = arith.extui %sign3A_78 : vector<16x640xi1> to vector<16x640xi32>
    %sign3A_80 = arith.subi %sign3A_75, %sign3A_79 : vector<16x640xi32>
    %sign3A_81 = arith.constant 0 : i32
    %sign3A_82 = arith.cmpi sgt, %jit3A, %sign3A_81 : i32
    %sign3A_83 = arith.extui %sign3A_82 : i1 to i32
    %sign3A_84 = arith.constant 0 : i32
    %sign3A_85 = arith.cmpi slt, %jit3A, %sign3A_84 : i32
    %sign3A_86 = arith.extui %sign3A_85 : i1 to i32
    %sign3A_87 = arith.subi %sign3A_83, %sign3A_86 : i32
    %ne3A = vector.broadcast %sign3A_87 : i32 to vector<16x640xi32>
    %ne3A_88 = arith.cmpi ne, %sign3A_80, %ne3A : vector<16x640xi32>
    %rem3A = vector.broadcast %jit3A : i32 to vector<16x640xi32>
    %rem3A_89 = arith.remsi %iota3A, %rem3A : vector<16x640xi32>
    %ne3A_90 = arith.constant 0 : i32
    %ne3A_91 = vector.broadcast %ne3A_90 : i32 to vector<16x640xi32>
    %ne3A_92 = arith.cmpi ne, %rem3A_89, %ne3A_91 : vector<16x640xi32>
    %and3A = arith.andi %ne3A_88, %ne3A_92 : vector<16x640xi1>
    %sub3A_93 = arith.constant 1 : i32
    %sub3A_94 = vector.broadcast %sub3A_93 : i32 to vector<16x640xi32>
    %sub3A_95 = arith.subi %div3A_72, %sub3A_94 : vector<16x640xi32>
    %select_n3A = arith.select %and3A, %sub3A_95, %div3A_72 : vector<16x640xi1>, vector<16x640xi32>
    %jit3A_96 = arith.constant 2 : i32
    %eq3A = arith.constant 0 : i32
    %eq3A_97 = arith.cmpi eq, %jit3A_96, %eq3A : i32
    %jit3A_98 = arith.constant 1 : i32
    %select_n3A_99 = arith.select %eq3A_97, %jit3A_98, %jit3A_96 : i32
    %rem3A_100 = vector.broadcast %select_n3A_99 : i32 to vector<16x640xi32>
    %rem3A_101 = arith.remsi %select_n3A, %rem3A_100 : vector<16x640xi32>
    %ne3A_102 = arith.constant 0 : i32
    %ne3A_103 = vector.broadcast %ne3A_102 : i32 to vector<16x640xi32>
    %ne3A_104 = arith.cmpi ne, %rem3A_101, %ne3A_103 : vector<16x640xi32>
    %lt3A = arith.constant 0 : i32
    %lt3A_105 = vector.broadcast %lt3A : i32 to vector<16x640xi32>
    %lt3A_106 = arith.cmpi slt, %rem3A_101, %lt3A_105 : vector<16x640xi32>
    %lt3A_107 = arith.constant 0 : i32
    %lt3A_108 = arith.cmpi slt, %select_n3A_99, %lt3A_107 : i32
    %ne3A_109 = vector.broadcast %lt3A_108 : i1 to vector<16x640xi1>
    %ne3A_110 = vector.broadcast %ne3A_109 : vector<16x640xi1> to vector<16x640xi1>
    %ne3A_111 = arith.xori %lt3A_106, %ne3A_110 : vector<16x640xi1>
    %and3A_112 = arith.andi %ne3A_111, %ne3A_104 : vector<16x640xi1>
    %add3A = vector.broadcast %select_n3A_99 : i32 to vector<16x640xi32>
    %add3A_113 = arith.addi %rem3A_101, %add3A : vector<16x640xi32>
    %select_n3A_114 = arith.select %and3A_112, %add3A_113, %rem3A_101 : vector<16x640xi1>, vector<16x640xi32>
    %mul3A = arith.constant 5 : i32
    %mul3A_115 = vector.broadcast %mul3A : i32 to vector<16x640xi32>
    %mul3A_116 = arith.muli %select_n3A_114, %mul3A_115 : vector<16x640xi32>
    %jit3A_117 = arith.constant 2 : i32
    %div3A_118 = vector.broadcast %jit3A_117 : i32 to vector<16x640xi32>
    %div3A_119 = arith.divsi %select_n3A, %div3A_118 : vector<16x640xi32>
    %sign3A_120 = arith.constant 0 : i32
    %sign3A_121 = vector.broadcast %sign3A_120 : i32 to vector<16x640xi32>
    %sign3A_122 = arith.cmpi sgt, %select_n3A, %sign3A_121 : vector<16x640xi32>
    %sign3A_123 = arith.extui %sign3A_122 : vector<16x640xi1> to vector<16x640xi32>
    %sign3A_124 = arith.constant 0 : i32
    %sign3A_125 = vector.broadcast %sign3A_124 : i32 to vector<16x640xi32>
    %sign3A_126 = arith.cmpi slt, %select_n3A, %sign3A_125 : vector<16x640xi32>
    %sign3A_127 = arith.extui %sign3A_126 : vector<16x640xi1> to vector<16x640xi32>
    %sign3A_128 = arith.subi %sign3A_123, %sign3A_127 : vector<16x640xi32>
    %sign3A_129 = arith.constant 0 : i32
    %sign3A_130 = arith.cmpi sgt, %jit3A_117, %sign3A_129 : i32
    %sign3A_131 = arith.extui %sign3A_130 : i1 to i32
    %sign3A_132 = arith.constant 0 : i32
    %sign3A_133 = arith.cmpi slt, %jit3A_117, %sign3A_132 : i32
    %sign3A_134 = arith.extui %sign3A_133 : i1 to i32
    %sign3A_135 = arith.subi %sign3A_131, %sign3A_134 : i32
    %ne3A_136 = vector.broadcast %sign3A_135 : i32 to vector<16x640xi32>
    %ne3A_137 = arith.cmpi ne, %sign3A_128, %ne3A_136 : vector<16x640xi32>
    %rem3A_138 = vector.broadcast %jit3A_117 : i32 to vector<16x640xi32>
    %rem3A_139 = arith.remsi %select_n3A, %rem3A_138 : vector<16x640xi32>
    %ne3A_140 = arith.constant 0 : i32
    %ne3A_141 = vector.broadcast %ne3A_140 : i32 to vector<16x640xi32>
    %ne3A_142 = arith.cmpi ne, %rem3A_139, %ne3A_141 : vector<16x640xi32>
    %and3A_143 = arith.andi %ne3A_137, %ne3A_142 : vector<16x640xi1>
    %sub3A_144 = arith.constant 1 : i32
    %sub3A_145 = vector.broadcast %sub3A_144 : i32 to vector<16x640xi32>
    %sub3A_146 = arith.subi %div3A_119, %sub3A_145 : vector<16x640xi32>
    %select_n3A_147 = arith.select %and3A_143, %sub3A_146, %div3A_119 : vector<16x640xi1>, vector<16x640xi32>
    %add3A_148 = arith.addi %mul3A_116, %select_n3A_147 : vector<16x640xi32>
    %iota3A_149 = tpu.iota {dimensions = array<i32: 0>} : vector<16x640xi32>
    %eq3A_150 = arith.cmpi eq, %add3A_148, %iota3A_149 : vector<16x640xi32>
    %convert_element_type3A_151 = arith.extui %eq3A_150 : vector<16x640xi1> to vector<16x640xi32>
    %convert_element_type3A_152 = arith.sitofp %convert_element_type3A_151 : vector<16x640xi32> to vector<16x640xf32>
    %dot_general3A_153 = arith.constant dense<0.000000e+00> : vector<512x640xf32>
    %dot_general3A_154 = tpu.matmul %div3A_12, %convert_element_type3A_152, %dot_general3A_153 {dimension_numbers = #tpu.dot_dimension_numbers<[1], [0], [0], [1], [0, 0, 1, 1], [], []>, transpose_lhs_hint = false} : vector<512x16xf32>, vector<16x640xf32>, vector<512x640xf32> -> vector<512x640xf32>
    %mul3A_155 = arith.mulf %concatenate3A, %dot_general3A_154 : vector<512x640xf32>
    %slice3A = vector.extract_strided_slice %mul3A_155 {offsets = [0, 0], sizes = [512, 128], strides = [1, 1]} : vector<512x640xf32> to vector<512x128xf32>
    %slice3A_156 = vector.extract_strided_slice %mul3A_155 {offsets = [0, 128], sizes = [512, 128], strides = [1, 1]} : vector<512x640xf32> to vector<512x128xf32>
    %add3A_157 = arith.addf %slice3A, %slice3A_156 : vector<512x128xf32>
    %slice3A_158 = vector.extract_strided_slice %mul3A_155 {offsets = [0, 256], sizes = [512, 128], strides = [1, 1]} : vector<512x640xf32> to vector<512x128xf32>
    %add3A_159 = arith.addf %add3A_157, %slice3A_158 : vector<512x128xf32>
    %slice3A_160 = vector.extract_strided_slice %mul3A_155 {offsets = [0, 384], sizes = [512, 128], strides = [1, 1]} : vector<512x640xf32> to vector<512x128xf32>
    %add3A_161 = arith.addf %add3A_159, %slice3A_160 : vector<512x128xf32>
    %slice3A_162 = vector.extract_strided_slice %mul3A_155 {offsets = [0, 512], sizes = [512, 128], strides = [1, 1]} : vector<512x640xf32> to vector<512x128xf32>
    %add3A_163 = arith.addf %add3A_161, %slice3A_162 : vector<512x128xf32>
    %add3A_164 = arith.addf %get3A_1, %add3A_163 : vector<512x128xf32>
    %get3A_165 = arith.constant 0 : index
    %get3A_166 = arith.constant 0 : index
    %get3A_167 = vector.load %arg11[%get3A_165, %get3A_166] : memref<1x128xf32, #tpu.memory_space<vmem>>, vector<1x128xf32>
    %get3A_168 = arith.constant 0 : index
    %get3A_169 = arith.constant 0 : index
    %get3A_170 = vector.load %arg12[%get3A_168, %get3A_169] : memref<1x128xf32, #tpu.memory_space<vmem>>, vector<1x128xf32>
    %reduce_sum3A = arith.constant dense<0.000000e+00> : vector<512xf32>
    %reduce_sum3A_171 = vector.multi_reduction <add>, %add3A_164, %reduce_sum3A [1] : vector<512x128xf32> to vector<512xf32>
    %broadcast_in_dim3A = vector.shape_cast %reduce_sum3A_171 : vector<512xf32> to vector<512x1xf32>
    %div3A_172 = arith.constant 1.280000e+02 : f32
    %div3A_173 = vector.broadcast %div3A_172 : f32 to vector<512x1xf32>
    %div3A_174 = arith.divf %broadcast_in_dim3A, %div3A_173 : vector<512x1xf32>
    %sub3A_175 = vector.broadcast %div3A_174 : vector<512x1xf32> to vector<512x128xf32>
    %sub3A_176 = arith.subf %add3A_164, %sub3A_175 : vector<512x128xf32>
    %mul3A_177 = arith.mulf %sub3A_176, %sub3A_176 : vector<512x128xf32>
    %reduce_sum3A_178 = arith.constant dense<0.000000e+00> : vector<512xf32>
    %reduce_sum3A_179 = vector.multi_reduction <add>, %mul3A_177, %reduce_sum3A_178 [1] : vector<512x128xf32> to vector<512xf32>
    %broadcast_in_dim3A_180 = vector.shape_cast %reduce_sum3A_179 : vector<512xf32> to vector<512x1xf32>
    %div3A_181 = arith.constant 1.280000e+02 : f32
    %div3A_182 = vector.broadcast %div3A_181 : f32 to vector<512x1xf32>
    %div3A_183 = arith.divf %broadcast_in_dim3A_180, %div3A_182 : vector<512x1xf32>
    %add3A_184 = arith.constant 9.99999974E-6 : f32
    %add3A_185 = vector.broadcast %add3A_184 : f32 to vector<512x1xf32>
    %add3A_186 = arith.addf %div3A_183, %add3A_185 : vector<512x1xf32>
    %rsqrt3A = math.rsqrt %add3A_186 : vector<512x1xf32>
    %mul3A_187 = vector.broadcast %rsqrt3A : vector<512x1xf32> to vector<512x128xf32>
    %mul3A_188 = arith.mulf %sub3A_176, %mul3A_187 : vector<512x128xf32>
    %mul3A_189 = vector.broadcast %get3A_167 : vector<1x128xf32> to vector<512x128xf32>
    %mul3A_190 = arith.mulf %mul3A_188, %mul3A_189 : vector<512x128xf32>
    %add3A_191 = vector.broadcast %get3A_170 : vector<1x128xf32> to vector<512x128xf32>
    %add3A_192 = arith.addf %mul3A_190, %add3A_191 : vector<512x128xf32>
    %convert_element_type3A_193 = arith.truncf %add3A_192 : vector<512x128xf32> to vector<512x128xbf16>
    %get3A_194 = arith.constant 0 : index
    %get3A_195 = arith.constant 0 : index
    %get3A_196 = vector.load %arg7[%get3A_194, %get3A_195] : memref<128x512xbf16, #tpu.memory_space<vmem>>, vector<128x512xbf16>
    %dot_general3A_197 = arith.constant dense<0.000000e+00> : vector<512x512xf32>
    %dot_general3A_198 = tpu.matmul %convert_element_type3A_193, %get3A_196, %dot_general3A_197 {dimension_numbers = #tpu.dot_dimension_numbers<[1], [0], [0], [1], [0, 0, 1, 1], [], []>, transpose_lhs_hint = false} : vector<512x128xbf16>, vector<128x512xbf16>, vector<512x512xf32> -> vector<512x512xf32>
    %get3A_199 = arith.constant 0 : index
    %get3A_200 = arith.constant 0 : index
    %get3A_201 = vector.load %arg8[%get3A_199, %get3A_200] : memref<1x512xf32, #tpu.memory_space<vmem>>, vector<1x512xf32>
    %add3A_202 = vector.broadcast %get3A_201 : vector<1x512xf32> to vector<512x512xf32>
    %add3A_203 = arith.addf %dot_general3A_198, %add3A_202 : vector<512x512xf32>
    %max3A = arith.constant 0.000000e+00 : f32
    %max3A_204 = vector.broadcast %max3A : f32 to vector<512x512xf32>
    %max3A_205 = arith.maximumf %add3A_203, %max3A_204 : vector<512x512xf32>
    %convert_element_type3A_206 = arith.truncf %max3A_205 : vector<512x512xf32> to vector<512x512xbf16>
    %get3A_207 = arith.constant 0 : index
    %get3A_208 = arith.constant 0 : index
    %get3A_209 = vector.load %arg9[%get3A_207, %get3A_208] : memref<512x128xbf16, #tpu.memory_space<vmem>>, vector<512x128xbf16>
    %dot_general3A_210 = arith.constant dense<0.000000e+00> : vector<512x128xf32>
    %dot_general3A_211 = tpu.matmul %convert_element_type3A_206, %get3A_209, %dot_general3A_210 {dimension_numbers = #tpu.dot_dimension_numbers<[1], [0], [0], [1], [0, 0, 1, 1], [], []>, transpose_lhs_hint = false} : vector<512x512xbf16>, vector<512x128xbf16>, vector<512x128xf32> -> vector<512x128xf32>
    %get3A_212 = arith.constant 0 : index
    %get3A_213 = arith.constant 0 : index
    %get3A_214 = vector.load %arg10[%get3A_212, %get3A_213] : memref<1x128xf32, #tpu.memory_space<vmem>>, vector<1x128xf32>
    %add3A_215 = vector.broadcast %get3A_214 : vector<1x128xf32> to vector<512x128xf32>
    %add3A_216 = arith.addf %dot_general3A_211, %add3A_215 : vector<512x128xf32>
    %add3A_217 = arith.addf %add3A_192, %add3A_216 : vector<512x128xf32>
    %get3A_218 = arith.constant 0 : index
    %get3A_219 = arith.constant 0 : index
    %get3A_220 = vector.load %arg13[%get3A_218, %get3A_219] : memref<1x128xf32, #tpu.memory_space<vmem>>, vector<1x128xf32>
    %get3A_221 = arith.constant 0 : index
    %get3A_222 = arith.constant 0 : index
    %get3A_223 = vector.load %arg14[%get3A_221, %get3A_222] : memref<1x128xf32, #tpu.memory_space<vmem>>, vector<1x128xf32>
    %reduce_sum3A_224 = arith.constant dense<0.000000e+00> : vector<512xf32>
    %reduce_sum3A_225 = vector.multi_reduction <add>, %add3A_217, %reduce_sum3A_224 [1] : vector<512x128xf32> to vector<512xf32>
    %broadcast_in_dim3A_226 = vector.shape_cast %reduce_sum3A_225 : vector<512xf32> to vector<512x1xf32>
    %div3A_227 = arith.constant 1.280000e+02 : f32
    %div3A_228 = vector.broadcast %div3A_227 : f32 to vector<512x1xf32>
    %div3A_229 = arith.divf %broadcast_in_dim3A_226, %div3A_228 : vector<512x1xf32>
    %sub3A_230 = vector.broadcast %div3A_229 : vector<512x1xf32> to vector<512x128xf32>
    %sub3A_231 = arith.subf %add3A_217, %sub3A_230 : vector<512x128xf32>
    %mul3A_232 = arith.mulf %sub3A_231, %sub3A_231 : vector<512x128xf32>
    %reduce_sum3A_233 = arith.constant dense<0.000000e+00> : vector<512xf32>
    %reduce_sum3A_234 = vector.multi_reduction <add>, %mul3A_232, %reduce_sum3A_233 [1] : vector<512x128xf32> to vector<512xf32>
    %broadcast_in_dim3A_235 = vector.shape_cast %reduce_sum3A_234 : vector<512xf32> to vector<512x1xf32>
    %div3A_236 = arith.constant 1.280000e+02 : f32
    %div3A_237 = vector.broadcast %div3A_236 : f32 to vector<512x1xf32>
    %div3A_238 = arith.divf %broadcast_in_dim3A_235, %div3A_237 : vector<512x1xf32>
    %add3A_239 = arith.constant 9.99999974E-6 : f32
    %add3A_240 = vector.broadcast %add3A_239 : f32 to vector<512x1xf32>
    %add3A_241 = arith.addf %div3A_238, %add3A_240 : vector<512x1xf32>
    %rsqrt3A_242 = math.rsqrt %add3A_241 : vector<512x1xf32>
    %mul3A_243 = vector.broadcast %rsqrt3A_242 : vector<512x1xf32> to vector<512x128xf32>
    %mul3A_244 = arith.mulf %sub3A_231, %mul3A_243 : vector<512x128xf32>
    %mul3A_245 = vector.broadcast %get3A_220 : vector<1x128xf32> to vector<512x128xf32>
    %mul3A_246 = arith.mulf %mul3A_244, %mul3A_245 : vector<512x128xf32>
    %add3A_247 = vector.broadcast %get3A_223 : vector<1x128xf32> to vector<512x128xf32>
    %add3A_248 = arith.addf %mul3A_246, %add3A_247 : vector<512x128xf32>
    %mul3A_249 = arith.constant 512 : i32
    %mul3A_250 = arith.muli %arg0, %mul3A_249 : i32
    %iota3A_251 = tpu.iota {dimensions = array<i32: 0>} : vector<512x1xi32>
    %add3A_252 = vector.broadcast %mul3A_250 : i32 to vector<512x1xi32>
    %add3A_253 = arith.addi %add3A_252, %iota3A_251 : vector<512x1xi32>
    %lt3A_254 = arith.constant 50086 : i32
    %lt3A_255 = vector.broadcast %lt3A_254 : i32 to vector<512x1xi32>
    %lt3A_256 = arith.cmpi slt, %add3A_253, %lt3A_255 : vector<512x1xi32>
    %jit3A_257 = arith.constant 0.000000e+00 : f32
    %broadcast_in_dim3A_258 = vector.shape_cast %lt3A_256 : vector<512x1xi1> to vector<512x1xi1>
    %broadcast_in_dim3A_259 = vector.broadcast %broadcast_in_dim3A_258 : vector<512x1xi1> to vector<512x128xi1>
    %broadcast_in_dim3A_260 = vector.broadcast %jit3A_257 : f32 to vector<512x128xf32>
    %select_n3A_261 = arith.select %broadcast_in_dim3A_259, %add3A_248, %broadcast_in_dim3A_260 : vector<512x128xi1>, vector<512x128xf32>
    %convert_element_type3A_262 = arith.truncf %select_n3A_261 : vector<512x128xf32> to vector<512x128xbf16>
    %get3A_263 = arith.constant 0 : index
    %get3A_264 = arith.constant 0 : index
    %get3A_265 = vector.load %arg16[%get3A_263, %get3A_264] : memref<128x16xbf16, #tpu.memory_space<vmem>>, vector<128x16xbf16>
    %dot_general3A_266 = arith.constant dense<0.000000e+00> : vector<512x16xf32>
    %dot_general3A_267 = tpu.matmul %convert_element_type3A_262, %get3A_265, %dot_general3A_266 {dimension_numbers = #tpu.dot_dimension_numbers<[1], [0], [0], [1], [0, 0, 1, 1], [], []>, transpose_lhs_hint = false} : vector<512x128xbf16>, vector<128x16xbf16>, vector<512x16xf32> -> vector<512x16xf32>
    %get3A_268 = arith.constant 0 : index
    %get3A_269 = arith.constant 0 : index
    %get3A_270 = vector.load %arg17[%get3A_268, %get3A_269] : memref<1x16xf32, #tpu.memory_space<vmem>>, vector<1x16xf32>
    %add3A_271 = vector.broadcast %get3A_270 : vector<1x16xf32> to vector<512x16xf32>
    %add3A_272 = arith.addf %dot_general3A_267, %add3A_271 : vector<512x16xf32>
    %swap3A = arith.constant 0 : index
    %swap3A_273 = arith.constant 0 : index
    %swap3A_274 = vector.load %arg21[%swap3A, %swap3A_273] : memref<512x16xf32, #tpu.memory_space<vmem>>, vector<512x16xf32>
    tpu.vector_store %arg21[%swap3A, %swap3A_273], %add3A_272 {strides = array<i32>} : memref<512x16xf32, #tpu.memory_space<vmem>>, vector<512x16xf32>,
    %get3A_275 = arith.constant 0 : index
    %get3A_276 = arith.constant 0 : index
    %get3A_277 = vector.load %arg15[%get3A_275, %get3A_276] : memref<8x384xi32, #tpu.memory_space<vmem>>, vector<1x384xi32>
    %get3A_278 = arith.constant 1 : index
    %get3A_279 = arith.constant 0 : index
    %get3A_280 = vector.load %arg15[%get3A_278, %get3A_279] : memref<8x384xi32, #tpu.memory_space<vmem>>, vector<1x384xi32>
    %ge3A = vector.broadcast %add3A_253 : vector<512x1xi32> to vector<512x384xi32>
    %ge3A_281 = vector.broadcast %get3A_277 : vector<1x384xi32> to vector<512x384xi32>
    %ge3A_282 = arith.cmpi sge, %ge3A, %ge3A_281 : vector<512x384xi32>
    %lt3A_283 = vector.broadcast %add3A_253 : vector<512x1xi32> to vector<512x384xi32>
    %lt3A_284 = vector.broadcast %get3A_280 : vector<1x384xi32> to vector<512x384xi32>
    %lt3A_285 = arith.cmpi slt, %lt3A_283, %lt3A_284 : vector<512x384xi32>
    %and3A_286 = arith.andi %ge3A_282, %lt3A_285 : vector<512x384xi1>
    %convert_element_type3A_287 = arith.extui %and3A_286 : vector<512x384xi1> to vector<512x384xi32>
    %convert_element_type3A_288 = arith.sitofp %convert_element_type3A_287 : vector<512x384xi32> to vector<512x384xf32>
    %dot_general3A_289 = arith.constant dense<0.000000e+00> : vector<384x128xf32>
    %dot_general3A_290 = tpu.matmul %convert_element_type3A_288, %select_n3A_261, %dot_general3A_289 {dimension_numbers = #tpu.dot_dimension_numbers<[0], [0], [1], [1], [0, 1, 1, 1], [], []>, transpose_lhs_hint = false} : vector<512x384xf32>, vector<512x128xf32>, vector<384x128xf32> -> vector<384x128xf32>
    %eq3A_291 = arith.constant 0 : i32
    %eq3A_292 = arith.cmpi eq, %arg0, %eq3A_291 : i32
    %convert_element_type3A_293 = arith.extui %eq3A_292 : i1 to i32
    %cond3A = arith.constant 0 : i32
    %cond3A_294 = arith.cmpi ne, %convert_element_type3A_293, %cond3A : i32
    scf.if %cond3A_294 {
      %broadcast_in_dim3A_307 = arith.constant 0.000000e+00 : f32
      %broadcast_in_dim3A_308 = vector.broadcast %broadcast_in_dim3A_307 : f32 to vector<384x128xf32>
      %swap3A_309 = arith.constant 0 : index
      %swap3A_310 = arith.constant 0 : index
      %swap3A_311 = vector.load %arg22[%swap3A_309, %swap3A_310] : memref<384x128xf32, #tpu.memory_space<vmem>>, vector<384x128xf32>
      tpu.vector_store %arg22[%swap3A_309, %swap3A_310], %broadcast_in_dim3A_308 {strides = array<i32>} : memref<384x128xf32, #tpu.memory_space<vmem>>, vector<384x128xf32>,
    } else {
    }
    %get3A_295 = arith.constant 0 : index
    %get3A_296 = arith.constant 0 : index
    %get3A_297 = vector.load %arg22[%get3A_295, %get3A_296] : memref<384x128xf32, #tpu.memory_space<vmem>>, vector<384x128xf32>
    %add3A_298 = arith.addf %get3A_297, %dot_general3A_290 : vector<384x128xf32>
    %swap3A_299 = arith.constant 0 : index
    %swap3A_300 = arith.constant 0 : index
    %swap3A_301 = vector.load %arg22[%swap3A_299, %swap3A_300] : memref<384x128xf32, #tpu.memory_space<vmem>>, vector<384x128xf32>
    tpu.vector_store %arg22[%swap3A_299, %swap3A_300], %add3A_298 {strides = array<i32>} : memref<384x128xf32, #tpu.memory_space<vmem>>, vector<384x128xf32>,
    %eq3A_302 = arith.constant 97 : i32
    %eq3A_303 = arith.cmpi eq, %arg0, %eq3A_302 : i32
    %convert_element_type3A_304 = arith.extui %eq3A_303 : i1 to i32
    %cond3A_305 = arith.constant 0 : i32
    %cond3A_306 = arith.cmpi ne, %convert_element_type3A_304, %cond3A_305 : i32
    scf.if %cond3A_306 {
      %get3A_307 = arith.constant 0 : index
      %get3A_308 = arith.constant 0 : index
      %get3A_309 = vector.load %arg22[%get3A_307, %get3A_308] : memref<384x128xf32, #tpu.memory_space<vmem>>, vector<384x128xf32>
      %get3A_310 = arith.constant 0 : index
      %get3A_311 = arith.constant 0 : index
      %get3A_312 = vector.load %arg18[%get3A_310, %get3A_311] : memref<384x128xf32, #tpu.memory_space<vmem>>, vector<384x128xf32>
      %div3A_313 = arith.divf %get3A_309, %get3A_312 : vector<384x128xf32>
      %get3A_314 = arith.constant 0 : index
      %get3A_315 = arith.constant 0 : index
      %get3A_316 = vector.load %arg19[%get3A_314, %get3A_315] : memref<128x128xf32, #tpu.memory_space<vmem>>, vector<128x128xf32>
      %dot_general3A_317 = arith.constant dense<0.000000e+00> : vector<384x128xf32>
      %dot_general3A_318 = tpu.matmul %div3A_313, %get3A_316, %dot_general3A_317 {dimension_numbers = #tpu.dot_dimension_numbers<[1], [0], [0], [1], [0, 0, 1, 1], [], []>, transpose_lhs_hint = false} : vector<384x128xf32>, vector<128x128xf32>, vector<384x128xf32> -> vector<384x128xf32>
      %get3A_319 = arith.constant 0 : index
      %get3A_320 = arith.constant 0 : index
      %get3A_321 = vector.load %arg20[%get3A_319, %get3A_320] : memref<1x128xf32, #tpu.memory_space<vmem>>, vector<1x128xf32>
      %add3A_322 = vector.broadcast %get3A_321 : vector<1x128xf32> to vector<384x128xf32>
      %add3A_323 = arith.addf %dot_general3A_318, %add3A_322 : vector<384x128xf32>
      %tanh3A = math.tanh %add3A_323 : vector<384x128xf32>
      %swap3A_324 = arith.constant 0 : index
      %swap3A_325 = arith.constant 0 : index
      %swap3A_326 = vector.load %arg23[%swap3A_324, %swap3A_325] : memref<384x128xf32, #tpu.memory_space<vmem>>, vector<384x128xf32>
      tpu.vector_store %arg23[%swap3A_324, %swap3A_325], %tanh3A {strides = array<i32>} : memref<384x128xf32, #tpu.memory_space<vmem>>, vector<384x128xf32>,
    } else {
    }
    return
  }
  func.func @transform_0(%arg0: i32) -> (i32, i32) {
    %c0_i32 = arith.constant 0 : i32
    %c0_i32_0 = arith.constant 0 : i32
    return %arg0, %c0_i32 : i32, i32
  }
  func.func @transform_1(%arg0: i32) -> (i32, i32, i32) {
    %c0_i32 = arith.constant 0 : i32
    %c0_i32_0 = arith.constant 0 : i32
    %c0_i32_1 = arith.constant 0 : i32
    return %c0_i32, %arg0, %c0_i32_0 : i32, i32, i32
  }
  func.func @transform_2(%arg0: i32) -> (i32, i32) {
    %c0_i32 = arith.constant 0 : i32
    %c0_i32_0 = arith.constant 0 : i32
    return %arg0, %c0_i32 : i32, i32
  }
  func.func @transform_3(%arg0: i32) -> (i32, i32) {
    %c0_i32 = arith.constant 0 : i32
    %c0_i32_0 = arith.constant 0 : i32
    %c0_i32_1 = arith.constant 0 : i32
    return %c0_i32, %c0_i32_0 : i32, i32
  }
  func.func @transform_4(%arg0: i32) -> (i32, i32) {
    %c0_i32 = arith.constant 0 : i32
    %c0_i32_0 = arith.constant 0 : i32
    %c0_i32_1 = arith.constant 0 : i32
    return %c0_i32, %c0_i32_0 : i32, i32
  }
  func.func @transform_5(%arg0: i32) -> (i32, i32, i32) {
    %c0_i32 = arith.constant 0 : i32
    %c0_i32_0 = arith.constant 0 : i32
    %c0_i32_1 = arith.constant 0 : i32
    %c0_i32_2 = arith.constant 0 : i32
    return %c0_i32, %c0_i32_0, %c0_i32_1 : i32, i32, i32
  }
  func.func @transform_6(%arg0: i32) -> (i32, i32) {
    %c0_i32 = arith.constant 0 : i32
    %c0_i32_0 = arith.constant 0 : i32
    %c0_i32_1 = arith.constant 0 : i32
    return %c0_i32, %c0_i32_0 : i32, i32
  }
  func.func @transform_7(%arg0: i32) -> (i32, i32) {
    %c0_i32 = arith.constant 0 : i32
    %c0_i32_0 = arith.constant 0 : i32
    %c0_i32_1 = arith.constant 0 : i32
    return %c0_i32, %c0_i32_0 : i32, i32
  }
  func.func @transform_8(%arg0: i32) -> (i32, i32) {
    %c0_i32 = arith.constant 0 : i32
    %c0_i32_0 = arith.constant 0 : i32
    %c0_i32_1 = arith.constant 0 : i32
    return %c0_i32, %c0_i32_0 : i32, i32
  }
  func.func @transform_9(%arg0: i32) -> (i32, i32) {
    %c0_i32 = arith.constant 0 : i32
    %c0_i32_0 = arith.constant 0 : i32
    %c0_i32_1 = arith.constant 0 : i32
    return %c0_i32, %c0_i32_0 : i32, i32
  }
  func.func @transform_10(%arg0: i32) -> (i32, i32) {
    %c0_i32 = arith.constant 0 : i32
    %c0_i32_0 = arith.constant 0 : i32
    %c0_i32_1 = arith.constant 0 : i32
    return %c0_i32, %c0_i32_0 : i32, i32
  }
  func.func @transform_11(%arg0: i32) -> (i32, i32) {
    %c0_i32 = arith.constant 0 : i32
    %c0_i32_0 = arith.constant 0 : i32
    %c0_i32_1 = arith.constant 0 : i32
    return %c0_i32, %c0_i32_0 : i32, i32
  }
  func.func @transform_12(%arg0: i32) -> (i32, i32) {
    %c0_i32 = arith.constant 0 : i32
    %c0_i32_0 = arith.constant 0 : i32
    %c0_i32_1 = arith.constant 0 : i32
    return %c0_i32, %c0_i32_0 : i32, i32
  }
  func.func @transform_13(%arg0: i32) -> (i32, i32) {
    %c0_i32 = arith.constant 0 : i32
    %c0_i32_0 = arith.constant 0 : i32
    %c0_i32_1 = arith.constant 0 : i32
    return %c0_i32, %c0_i32_0 : i32, i32
  }
  func.func @transform_14(%arg0: i32) -> (i32, i32) {
    %c0_i32 = arith.constant 0 : i32
    %c0_i32_0 = arith.constant 0 : i32
    %c0_i32_1 = arith.constant 0 : i32
    return %c0_i32, %c0_i32_0 : i32, i32
  }
  func.func @transform_15(%arg0: i32) -> (i32, i32) {
    %c0_i32 = arith.constant 0 : i32
    %c0_i32_0 = arith.constant 0 : i32
    %c0_i32_1 = arith.constant 0 : i32
    return %c0_i32, %c0_i32_0 : i32, i32
  }
  func.func @transform_16(%arg0: i32) -> (i32, i32) {
    %c0_i32 = arith.constant 0 : i32
    %c0_i32_0 = arith.constant 0 : i32
    %c0_i32_1 = arith.constant 0 : i32
    return %c0_i32, %c0_i32_0 : i32, i32
  }
  func.func @transform_17(%arg0: i32) -> (i32, i32) {
    %c0_i32 = arith.constant 0 : i32
    %c0_i32_0 = arith.constant 0 : i32
    %c0_i32_1 = arith.constant 0 : i32
    return %c0_i32, %c0_i32_0 : i32, i32
  }
  func.func @transform_18(%arg0: i32) -> (i32, i32) {
    %c0_i32 = arith.constant 0 : i32
    %c0_i32_0 = arith.constant 0 : i32
    %c0_i32_1 = arith.constant 0 : i32
    return %c0_i32, %c0_i32_0 : i32, i32
  }
  func.func @transform_19(%arg0: i32) -> (i32, i32) {
    %c0_i32 = arith.constant 0 : i32
    %c0_i32_0 = arith.constant 0 : i32
    %c0_i32_1 = arith.constant 0 : i32
    return %c0_i32, %c0_i32_0 : i32, i32
  }
  func.func @transform_20(%arg0: i32) -> (i32, i32) {
    %c0_i32 = arith.constant 0 : i32
    %c0_i32_0 = arith.constant 0 : i32
    return %arg0, %c0_i32 : i32, i32
  }
  func.func @transform_21(%arg0: i32) -> (i32, i32) {
    %c0_i32 = arith.constant 0 : i32
    %c0_i32_0 = arith.constant 0 : i32
    %c0_i32_1 = arith.constant 0 : i32
    return %c0_i32, %c0_i32_0 : i32, i32
  }
  func.func @transform_22(%arg0: i32) -> (i32, i32) {
    %c0_i32 = arith.constant 0 : i32
    %c0_i32_0 = arith.constant 0 : i32
    %c0_i32_1 = arith.constant 0 : i32
    return %c0_i32, %c0_i32_0 : i32, i32
  }
}

</mosaic_0001>

<sc_bundles>
// kernel: kernel.11.cloned.1.call-start
scs
__scs_entry_jumppad:
0x0: {  	(pc) =	sbr.rel $0x88, $3  }
0x1: {  	(tag) =	ssettag $0x0;
	lr =	simm.s32 $0x1  }
0x2: {  	[smem:$0x3F8F] =	sst lr;
	_ =	strace $0xD0000000  }
0x3: {  	_ = 	snop  }
0x4: {  	_ = 	snop  }
0x5: {  	_ = 	snop  }
0x6: {  	_ = 	snop  }
0x7: {  	_ = 	snop  }
__scs_overlays_trampoline_lowered:
0x8: {  	[smem:$0x3F9E] =	sst s0  }
0x9: {  	[smem:$0x3F9F] =	sst s1  }
0xa: {  	[smem:$0x3FA0] =	sst s2  }
0xb: {  	[smem:$0x3FA1] =	sst s3  }
0xc: {  	[smem:$0x3FA2] =	sst s4  }
0xd: {  	[smem:$0x3FA3] =	sst s5  }
0xe: {  	[smem:$0x3FA4] =	sst s6  }
0xf: {  	[smem:$0x3FA5] =	sst s7  }
0x10: {  	[smem:$0x3FA6] =	sst s8  }
0x11: {  	[smem:$0x3FA7] =	sst s9;
	s0 =	simm.s32 @!p0 $0x0  }
0x12: {  	s1 =	sld [smem:$0x3F8D];
	s0 =	simm.s32 @p0 $0x1  }
0x13: {  	[smem:$0x3FA8] =	sst s0;
	s0 =	simm.s32 @!p1 $0x0  }
0x14: {  	s2 =	sld [smem:$0x3F8C];
	s0 =	simm.s32 @p1 $0x1  }
0x15: {  	[smem:$0x3FA9] =	sst s0;
	s0 =	simm.s32 @!p2 $0x0  }
0x16: {  	s3 =	sld [smem:$0x3FDB];
	s0 =	simm.s32 @p2 $0x1  }
0x17: {  	s4 =	simm.s32 $0x1BF5;
	[smem:$0x3FAB] =	sst s0  }
0x18: {  	s0 =	sld [smem:$0x3F8E];
	_ =	swait.ge [sflag:s4], $0x0  }
0x19: {  	s7 =	sld [smem:$0x3F8F]  }
0x1a: {  	s8 =	sadd.s32 $0xFFFFE003, lr  }
0x1b: {  	s9 =	sadd.s32 $0xFFFFFEF7, lr;
	s5 =	simm.s32 $0xFFFFFFFF;
	p2 =	slt.u32 s8, $0xFFFFF086  }
0x1c: {  	p1 =	slt.u32 s9, $0xF7A;
	s5 =	simm.s32 @!p2 $0x0  }
0x1d: {  	s5 =	simm.s32 @p1 $0x1;
	p0 =	seq.s32 s7, s2  }
0x1e: {  	s7 =	smul.u32 @!p0 $0xF7A, s2;
	p2 =	seq.s32 @!p0 s5, $0x0  }
0x1f: {  	s9 =	smul.u32 $0xF7A, s1;
	s8 =	simm.s32 @!p0 $0x1BF5;
	p2 =	por !p2, p0  }
0x20: {  	[sflag:s8] =	ssyncset.s32 @!p0 $0xFFFFF086;
	s6 =	sadd.s32 @!p0 s3, s7;
	s7 =	simm.s32 @!p0 $0x108  }
0x21: {  	s3 =	sadd.s32 s3, s9;
	s6 =	sadd.s32 @!p0 $0x88, s6;
	s7 =	simm.s32 @p2 $0x1082  }
0x22: {  	[simem:s7], [sflag:s8] =	dma.local @!p0 [hbm:s6], $0xF7A  }
0x23: {  	s9 =	sor.u32 $0xD0000000, s2;
	s6 =	simm.s32 $0x108;
	_ =	swait.ge @!p0 [sflag:s8], $0x0  }
0x24: {  	s3 =	sadd.s32 $0x88, s3;
	s6 =	simm.s32 @!p1 $0x1082;
	[sflag:s4] =	ssyncset.s32 $0xFFFFF086  }
0x25: {  	[simem:s6], [sflag:s4] =	dma.local [hbm:s3], $0xF7A  }
0x26: {  	[smem:$0x3F8F] =	sst s1;
	(tag) =	ssettag s2;
	_ =	strace s9  }
0x27: {  	s1 =	sld [smem:$0x3F9F]  }
0x28: {  	s2 =	sld [smem:$0x3FA0]  }
0x29: {  	s4 =	sld [smem:$0x3FA2]  }
0x2a: {  	p0 =	seq.s32 s5, $0x0;
	s5 =	sld [smem:$0x3FA3]  }
0x2b: {  	s6 =	sld [smem:$0x3FA4]  }
0x2c: {  	s7 =	sld [smem:$0x3FA5]  }
0x2d: {  	s3 =	simm.s32 $0x108;
	s8 =	sld [smem:$0x3FA6]  }
0x2e: {  	s3 =	simm.s32 @!p0 $0x1082;
	s9 =	sld [smem:$0x3FA7]  }
0x2f: {  	lr =	sadd.s32 s0, s3;
	s0 =	sld [smem:$0x3F9E]  }
0x30: {  	s3 =	sld [smem:$0x3FA1]  }
0x31: {  	[smem:$0x3FAA] =	sst s10  }
0x32: {  	s10 =	sld [smem:$0x3FA8];
	_ =	sdelay $0x3  }
0x33: {  	p0 =	seq.s32 s10, $0x1;
	s10 =	sld [smem:$0x3FAA];
	_ =	sdelay $0x3  }
0x34: {  	[smem:$0x3FAA] =	sst s10  }
0x35: {  	s10 =	sld [smem:$0x3FA9];
	_ =	sdelay $0x3  }
0x36: {  	p1 =	seq.s32 s10, $0x1;
	s10 =	sld [smem:$0x3FAA];
	_ =	sdelay $0x3  }
0x37: {  	[smem:$0x3FAA] =	sst s10  }
0x38: {  	s10 =	sld [smem:$0x3FAB]  }
0x39: {  	_ = 	snop;
	(pc) =	sbr.ind lr, $3  }
0x3a: {  	_ = 	snop  }
0x3b: {  	_ = 	snop  }
0x3c: {  	p2 =	seq.s32 s10, $0x1;
	s10 =	sld [smem:$0x3FAA]  }
0x3d: {  	_ =	shalt  }
0x3e: {  	_ =	shalt  }
0x3f: {  	_ =	shalt  }
0x40: {  	_ =	shalt  }
0x41: {  	_ =	shalt  }
0x42: {  	_ =	shalt  }
0x43: {  	_ =	shalt  }
0x44: {  	_ =	shalt  }
0x45: {  	_ =	shalt  }
0x46: {  	_ =	shalt  }
0x47: {  	_ =	shalt  }
0x48: {  	_ =	shalt  }
0x49: {  	_ =	shalt  }
0x4a: {  	_ =	shalt  }
0x4b: {  	_ =	shalt  }
0x4c: {  	_ =	shalt  }
0x4d: {  	_ =	shalt  }
0x4e: {  	_ =	shalt  }
0x4f: {  	_ =	shalt  }
0x50: {  	_ =	shalt  }
0x51: {  	_ =	shalt  }
0x52: {  	_ =	shalt  }
0x53: {  	_ =	shalt  }
0x54: {  	_ =	shalt  }
0x55: {  	_ =	shalt  }
0x56: {  	_ =	shalt  }
0x57: {  	_ =	shalt  }
0x58: {  	_ =	shalt  }
0x59: {  	_ =	shalt  }
0x5a: {  	_ =	shalt  }
0x5b: {  	_ =	shalt  }
0x5c: {  	_ =	shalt  }
0x5d: {  	_ =	shalt  }
0x5e: {  	_ =	shalt  }
0x5f: {  	_ =	shalt  }
0x60: {  	_ =	shalt  }
0x61: {  	_ =	shalt  }
0x62: {  	_ =	shalt  }
0x63: {  	_ =	shalt  }
0x64: {  	_ =	shalt  }
0x65: {  	_ =	shalt  }
0x66: {  	_ =	shalt  }
0x67: {  	_ =	shalt  }
0x68: {  	_ =	shalt  }
0x69: {  	_ =	shalt  }
0x6a: {  	_ =	shalt  }
0x6b: {  	_ =	shalt  }
0x6c: {  	_ =	shalt  }
0x6d: {  	_ =	shalt  }
0x6e: {  	_ =	shalt  }
0x6f: {  	_ =	shalt  }
0x70: {  	_ =	shalt  }
0x71: {  	_ =	shalt  }
0x72: {  	_ =	shalt  }
0x73: {  	_ =	shalt  }
0x74: {  	_ =	shalt  }
0x75: {  	_ =	shalt  }
0x76: {  	_ =	shalt  }
0x77: {  	_ =	shalt  }
0x78: {  	_ =	shalt  }
0x79: {  	_ =	shalt  }
0x7a: {  	_ =	shalt  }
0x7b: {  	_ =	shalt  }
0x7c: {  	_ =	shalt  }
0x7d: {  	_ =	shalt  }
0x7e: {  	_ =	shalt  }
0x7f: {  	_ =	shalt  }
0x80: {  	_ =	shalt  }
0x81: {  	_ =	shalt  }
0x82: {  	_ =	shalt  }
0x83: {  	_ =	shalt  }
0x84: {  	_ =	shalt  }
0x85: {  	_ =	shalt  }
0x86: {  	_ =	shalt  }
0x87: {  	_ =	shalt  }
.Lfunc_end0:
.L_simem_size_0:
called_computation.1_lowered:
.L_overlay_start_0:
0x88: {  	s2 =	sld [smem:$0x3FD9]  }
0x89: {  	s3 =	sld [smem:$0x3FFE];
	_ =	sdelay $0x1  }
0x8a: {  	s1 =	srdreg.scid  }
0x8b: {  	s0 =	sand.u32 $0x1, s1  }
0x8c: {  	s14 =	sshll.u32 s0, $0xA;
	s2 =	sadd.s32 s3, s2  }
0x8d: {  	s2 =	sadd.s32 s2, s14  }
0x8e: {  	[smem:$0x3FB6] =	sst s2  }
0x8f: {  	_ = 	snop  }
0x90: {  	s2 =	sld [smem:$0x3FD0];
	_ =	sdelay $0x2  }
0x91: {  	s15 =	simm.s32 $0xA;
	s4 =	simm.s32 $0x10  }
0x92: {  	[smem:s4], [sflag:s15] =	dma.local [hbm:s2], $0x1  }
0x93: {  	_ =	swait.eq [sflag:s15], $0x1  }
0x94: {  	[sflag:s15] =	ssyncset.done $0x0  }
0x95: {  	[sflag:s15] =	ssyncadd.s32 $0xFFFFFFFF  }
0x96: {  	s16 =	sld [smem:$0x10];
	(tm) =	ssettm $0x1  }
0x97: {  	s17 =	sld [smem:$0x3FFB];
	_ =	sdelay $0x3  }
0x98: {  	_ =	strace s17  }
0x99: {  	s3 =	sld [smem:$0x3FFC];
	_ =	sdelay $0x3  }
0x9a: {  	_ =	strace s3  }
0x9b: {  	s3 =	sld [smem:$0x3FFD];
	_ =	sdelay $0x3  }
0x9c: {  	_ =	strace s3  }
0x9d: {  	_ =	strace $0x8FFFFFFF  }
0x9e: {  	s18 =	sld [smem:$0x3FDB];
	_ =	sdelay $0x1  }
0x9f: {  	s19 =	simm.s32 $_scs_section_size  }
0xa0: {  	s5 =	simm.s32 $_size__tile_overlayer_lowered;
	s6 =	simm.s32 $_tile_overlayer_lowered  }
0xa1: {  	s22 =	simm.s32 $0x1BFF;
	s21 =	sshll.u32 s6, $0x1;
	s3 =	sadd.s32 s19, s18  }
0xa2: {  	s7 =	simm.s32 $0x0;
	s20 =	sshll.u32 s5, $0x1;
	s5 =	sadd.s32 s21, s3  }
0xa3: {  	[timem:s7], [sflag:s22] =	dma.local [hbm:s5], s20  }
0xa4: {  	_ =	swait.ge [sflag:s22], s20  }
0xa5: {  	s4 =	ssub.s32 $0x0, s20;
	[sflag:s22] =	ssyncset.done $0x0  }
0xa6: {  	[sflag:s22] =	ssyncadd.s32 s4;
	_ =	sdelay $0x1  }
0xa7: {  	s23 =	simm.s32 $0x1B8B  }
0xa8: {  	_ =	swait.ge [sflag:s23], $0x1  }
0xa9: {  	[sflag:s23] =	ssyncset.done $0x0  }
0xaa: {  	s25 =	simm.s32 $0x1B8E;
	s24 =	sld [smem:$0x3FFE];
	[sflag:s23] =	ssyncadd.s32 $0xFFFFFFFF  }
0xab: {  	s26 =	simm.s32 $execute0_lowered;
	[smem:$0x3FD2] =	sst s25  }
0xac: {  	s5 =	sshll.u32 s26, $0x1;
	_ =	strace $0x80000049;
	[dreg:$0x1] =	wrdreg $0xFFFFFFFF  }
0xad: {  	s28 =	simm.s32 $_size_execute0_lowered;
	s3 =	sadd.s32 s3, s5;
	[dreg:$0x0] =	wrdreg $0x0  }
0xae: {  	s5 =	sshll.u32 s28, $0x1;
	[dreg:$0x2] =	wrdreg s3  }
0xaf: {  	[dreg:$0x3] =	wrdreg s5  }
0xb0: {  	[dreg:$0x4] =	wrdreg $0xC0  }
0xb1: {  	_ =	task [dreg:s7], $0x5FFFF  }
0xb2: {  	[dreg:$0x1] =	wrdreg $0xFFFFFFFF  }
0xb3: {  	[dreg:$0x0] =	wrdreg $0x60  }
0xb4: {  	[dreg:$0x2] =	wrdreg s24  }
0xb5: {  	[dreg:$0x3] =	wrdreg s16  }
0xb6: {  	[dreg:$0x4] =	wrdreg $0x9  }
0xb7: {  	_ =	task.clear_ibuf [dreg:s7], $0x5FFFF;
	_ =	strace $0x90000049  }
0xb8: {  	s29 =	simm.s32 $0x9;
	_ =	strace $0x8000004B  }
0xb9: {  	_ =	swait.ge [sflag:s29], $0x1  }
0xba: {  	[sflag:s29] =	ssyncadd.s32 $0xFFFFFFFF  }
0xbb: {  	_ =	strace $0x9000004B  }
0xbc: {  	_ =	sfence  }
0xbd: {  	s30 =	sld [smem:$0x0];
	_ =	sdelay $0x2  }
0xbe: {  	s31 =	sshll.u32 s1, $0xD;
	s1 =	sshrl.u32 s1, $0x2  }
0xbf: {  	s3 =	sand.u32 $0x4000, s31;
	s1 =	sadd.s32 s1, s30  }
0xc0: {  	s0 =	sor.u32 s3, s0;
	s1 =	sshll.u32 s1, $0x11  }
0xc1: {  	s0 =	sor.u32 s1, s0  }
0xc2: {  	s0 =	sadd.s32 $0x8F2B, s0  }
0xc3: {  	[sflag:s0] =	ssyncadd.remote.s32 $0x1  }
0xc4: {  	_ =	sfence.sel $0xFFFF  }
0xc5: {  	[dreg:$0x0] =	wrdreg $0xFFFFFFFF;
	(pc) =	sbr.abs _section_cstart, $3  }
0xc6: {  	[dreg:$0x1] =	wrdreg $0xFFFFFFFF  }
0xc7: {  	_ =	task.clear_ibuf [dreg:s7], $0x2FFFF;
	_ =	strace $0x9FFFFFFF  }
0xc8: {  	(tm) =	ssettm $0x7FFFFFFF  }
0xc9: {  	_ =	shalt  }
tec
execute0_lowered:
.L_overlay_start_1:
0x0: {  	(tag) =	ssettag $0x1  }
0x1: {  	s4 =	rddreg [dreg:$0x0]  }
0x2: {  	s5 =	rddreg [dreg:$0x1]  }
0x3: {  	s0 =	rddreg [dreg:$0x2]  }
0x4: {  	s3 =	srdreg.scid;
	s1 =	stileid.u32;
	s2 =	simm.s32 $0x0  }
0x5: {  	s11 =	simm.s32 $0x70;
	s12 =	simm.s32 $0x5080;
	s13 =	simm.s32 $0x1  }
0x6: {  	s14 =	simm.s32 $0x2;
	s15 =	simm.s32 $0x1810;
	s16 =	simm.s32 $0x0  }
0x7: {  	s6 =	sand.u32 $0x1, s3;
	s28 =	sshll.u32 s1, $0x1;
	[smem:$0x7FF] =	sst s2  }
0x8: {  	s3 =	sadd.s32 $0x3DD800, s4;
	s30 =	smul.u32 $0x31000, s1;
	s7 =	sor.u32 s6, s28  }
0x9: {  	s9 =	sadd.s32 $0x4200, s4;
	s29 =	ssub.s32 $0x2, s6;
	s8 =	smul.u32 $0x1880, s7  }
0xa: {  	_ =	strace $0x8000004A;
	s10 =	sshrl.u32 s29, $0x1;
	s7 =	smul.u32 $0x18800, s7  }
0xb: {  	s31 =	smul.u32 $0x18800, s6;
	s10 =	ssub.s32 s29, s10;
	s8 =	sshrl.u32 s8, $0x3  }
0xc: {  	s7 =	sadd.s32 s9, s7;
	s4 =	sadd.s32 s5, s8;
	s5 =	smax.u32 s10, $0x1  }
0xd: {  	s6 =	sadd.s32 $0x17A00, s7;
	s7 =	sadd.s32 $0x18100, s7;
	s8 =	sadd.s32 s30, s9  }
0xe: {  	s9 =	simm.s32 $0x3;
	s10 =	simm.s32 $0x1880;
	s8 =	sadd.s32 s31, s8  }
.LBB2_1:
0xf: {  	[tilespmem:s2], [sflag:$0x3] =	stream.linear.gather [hbm4b:s4+s2], $0x1880, $0x38;
	[tilespmem:$0x8880] =	vst v63  }
0x10: {  	_ =	swait.ge [sflag:s9], $0x1880  }
0x11: {  	[sflag:s9] =	ssyncset.done $0x0  }
0x12: {  	[sflag:s9] =	ssyncadd.s32 $0xFFFFE780  }
0x13: {  	[tilespmem:s10], [sflag:$0x1] =	stream.indirect.gather [hbm4b:s3+s11], $0x80, s2, s11, $0xb8;
	[tilespmem:$0x8880] =	vst v63  }
0x14: {  	_ = 	snop  }
0x15: {  	[tilespmem:s12], [sflag:$0x2] =	stream.indirect.gather [hbm4b:s3+s11], $0x80, s11, s11, $0xb8;
	[tilespmem:$0x8880] =	vst v63  }
0x16: {  	_ =	swait.ge [sflag:s13], $0x3800  }
0x17: {  	[sflag:s13] =	ssyncset.done $0x0  }
0x18: {  	s17 =	sadd.s32 $0x0, s8;
	[sflag:s13] =	ssyncadd.s32 $0xFFFFC800  }
0x19: {  	[hbm4b:s17+s2] =	stream.linear.scatter [tilespmem:s10], [sflag:$0x3], $0x3800, $0x38;
	[tilespmem:$0x8880] =	vst v63  }
0x1a: {  	_ =	swait.ge [sflag:s9], $0x3800  }
0x1b: {  	[sflag:s9] =	ssyncset.done $0x0  }
0x1c: {  	s18 =	simm.s32 $0xE0;
	[sflag:s9] =	ssyncadd.s32 $0xFFFFC800  }
0x1d: {  	[tilespmem:s10], [sflag:$0x1] =	stream.indirect.gather [hbm4b:s3+s11], $0x80, s18, s11, $0xb8;
	[tilespmem:$0x8880] =	vst v63  }
0x1e: {  	_ =	swait.ge [sflag:s14], $0x3800  }
0x1f: {  	[sflag:s14] =	ssyncset.done $0x0  }
0x20: {  	s17 =	sadd.s32 $0x700, s17;
	[sflag:s14] =	ssyncadd.s32 $0xFFFFC800  }
0x21: {  	[hbm4b:s17+s2] =	stream.linear.scatter [tilespmem:s12], [sflag:$0x3], $0x3800, $0x38;
	[tilespmem:$0x8880] =	vst v63  }
0x22: {  	_ =	swait.ge [sflag:s9], $0x3800  }
0x23: {  	s18 =	simm.s32 $0x70;
	s17 =	simm.s32 $0xE00;
	[sflag:s9] =	ssyncset.done $0x0  }
.LBB2_2:
0x24: {  	p0 =	sne.s32 s17, $0x16C00;
	[sflag:s9] =	ssyncadd.s32 $0xFFFFC800;
	s18 =	sadd.s32 $0xE0, s18  }
0x25: {  	[tilespmem:s12], [sflag:$0x2] =	stream.indirect.gather [hbm4b:s3+s11], $0x80, s18, s11, $0xb8;
	[tilespmem:$0x8880] =	vst v63  }
0x26: {  	s19 =	smov.u32 s17;
	s17 =	sadd.s32 $0xE00, s17;
	_ =	swait.ge [sflag:s13], $0x3800  }
0x27: {  	[sflag:s13] =	ssyncset.done $0x0  }
0x28: {  	s19 =	sadd.s32 s19, s8;
	[sflag:s13] =	ssyncadd.s32 $0xFFFFC800  }
0x29: {  	[hbm4b:s19+s2] =	stream.linear.scatter [tilespmem:s10], [sflag:$0x3], $0x3800, $0x38;
	[tilespmem:$0x8880] =	vst v63  }
0x2a: {  	_ =	swait.ge [sflag:s9], $0x3800  }
0x2b: {  	[sflag:s9] =	ssyncset.done $0x0  }
0x2c: {  	s20 =	sadd.s32 $0x70, s18;
	[sflag:s9] =	ssyncadd.s32 $0xFFFFC800  }
0x2d: {  	[tilespmem:s10], [sflag:$0x1] =	stream.indirect.gather [hbm4b:s3+s11], $0x80, s20, s11, $0xb8;
	[tilespmem:$0x8880] =	vst v63  }
0x2e: {  	_ =	swait.ge [sflag:s14], $0x3800  }
.Ltmp0:
0x2f: {  	[sflag:s14] =	ssyncset.done $0x0;
	(pc) =	sbr.rel @p0 .LBB2_2-.Ltmp0, $4  }
0x30: {  	s19 =	sadd.s32 $0x700, s19;
	[sflag:s14] =	ssyncadd.s32 $0xFFFFC800  }
0x31: {  	[hbm4b:s19+s2] =	stream.linear.scatter [tilespmem:s12], [sflag:$0x3], $0x3800, $0x38;
	[tilespmem:$0x8880] =	vst v63  }
0x32: {  	_ =	swait.ge [sflag:s9], $0x3800  }
0x33: {  	[sflag:s9] =	ssyncset.done $0x0  }
0x34: {  	[sflag:s9] =	ssyncadd.s32 $0xFFFFC800  }
0x35: {  	[tilespmem:s12], [sflag:$0x2] =	stream.indirect.gather [hbm4b:s3+s11], $0x80, s15, s11, $0xb8;
	[tilespmem:$0x8880] =	vst v63  }
0x36: {  	_ =	swait.ge [sflag:s13], $0x3800  }
0x37: {  	[sflag:s13] =	ssyncset.done $0x0  }
0x38: {  	[sflag:s13] =	ssyncadd.s32 $0xFFFFC800  }
0x39: {  	[hbm4b:s6+s2] =	stream.linear.scatter [tilespmem:s10], [sflag:$0x3], $0x3800, $0x38;
	[tilespmem:$0x8880] =	vst v63  }
0x3a: {  	_ =	swait.ge [sflag:s9], $0x3800  }
0x3b: {  	[sflag:s9] =	ssyncset.done $0x0  }
0x3c: {  	[sflag:s9] =	ssyncadd.s32 $0xFFFFC800  }
0x3d: {  	s16 =	sadd.s32 $0x1, s16;
	_ =	swait.ge [sflag:s14], $0x3800  }
0x3e: {  	p0 =	sne.s32 s16, s5;
	[sflag:s14] =	ssyncset.done $0x0  }
.Ltmp1:
0x3f: {  	[sflag:s14] =	ssyncadd.s32 $0xFFFFC800;
	(pc) =	sbr.rel @p0 .LBB2_1-.Ltmp1, $4  }
0x40: {  	[hbm4b:s7+s2] =	stream.linear.scatter [tilespmem:s12], [sflag:$0x3], $0x3800, $0x38;
	[tilespmem:$0x8880] =	vst v63  }
0x41: {  	_ =	swait.ge [sflag:s9], $0x3800  }
0x42: {  	[sflag:s9] =	ssyncset.done $0x0  }
0x43: {  	[sflag:s9] =	ssyncadd.s32 $0xFFFFC800  }
0x44: {  	_ =	sfence.sel $0x180000  }
0x45: {  	[bflag:$0x0] =	sbarrier.arrive $0xFFFF  }
0x46: {  	p0 =	sne.s32 s1, $0x0;
	_ =	strace $0x9000004A  }
0x47: {  	s0 =	sadd.s32 @!p0 $0x100000, s0;
	[bflag:$0x2] =	sbarrier.arrive $0xFFFF  }
0x48: {  	[sflag:s0] =	ssyncadd.tile.s32 @!p0 $0x1;
	_ =	shalt  }
.Lfunc_end2:
_tile_overlayer_lowered:
.L_overlay_start_2:
0x49: {  	(tag) =	ssettag $0x2  }
0x4a: {  	s0 =	rddreg [dreg:$0x0];
	s2 =	stileid.u32  }
0x4b: {  	s1 =	rddreg [dreg:$0x1];
	p0 =	sne.s32 s2, $0x0  }
0x4c: {  	s3 =	rddreg [dreg:$0x2];
	[bflag:$0x3] =	sbarrier.arrive $0xFFFF;
	s2 =	simm.s32 @!p0 $0x1C03  }
0x4d: {  	[timem:s3], [sflag:s2] =	dma.local @!p0 [hbm:s0], s1  }
0x4e: {  	s0 =	simm.s32 @!p0 $0x3  }
0x4f: {  	_ =	swait.ge @!p0 [sflag:s0], s1  }
0x50: {  	s1 =	ssub.s32 @!p0 $0x0, s1;
	[sflag:s0] =	ssyncset.done @!p0 $0x0  }
0x51: {  	[sflag:s0] =	ssyncadd.s32 @!p0 s1  }
0x52: {  	[bflag:$0x3] =	sbarrier.arrive $0xFFFF  }
0x53: {  	_ =	shalt  }

// kernel: kernel.8.cloned.1.call-start
scs
__scs_entry_jumppad:
0x0: {  	(pc) =	sbr.rel $0x88, $3  }
0x1: {  	(tag) =	ssettag $0x0;
	lr =	simm.s32 $0x1  }
0x2: {  	[smem:$0x3F8F] =	sst lr;
	_ =	strace $0xD0000000  }
0x3: {  	_ = 	snop  }
0x4: {  	_ = 	snop  }
0x5: {  	_ = 	snop  }
0x6: {  	_ = 	snop  }
0x7: {  	_ = 	snop  }
__scs_overlays_trampoline_lowered:
0x8: {  	[smem:$0x3F9E] =	sst s0  }
0x9: {  	[smem:$0x3F9F] =	sst s1  }
0xa: {  	[smem:$0x3FA0] =	sst s2  }
0xb: {  	[smem:$0x3FA1] =	sst s3  }
0xc: {  	[smem:$0x3FA2] =	sst s4  }
0xd: {  	[smem:$0x3FA3] =	sst s5  }
0xe: {  	[smem:$0x3FA4] =	sst s6  }
0xf: {  	[smem:$0x3FA5] =	sst s7  }
0x10: {  	[smem:$0x3FA6] =	sst s8  }
0x11: {  	[smem:$0x3FA7] =	sst s9;
	s0 =	simm.s32 @!p0 $0x0  }
0x12: {  	s1 =	sld [smem:$0x3F8D];
	s0 =	simm.s32 @p0 $0x1  }
0x13: {  	[smem:$0x3FA8] =	sst s0;
	s0 =	simm.s32 @!p1 $0x0  }
0x14: {  	s2 =	sld [smem:$0x3F8C];
	s0 =	simm.s32 @p1 $0x1  }
0x15: {  	[smem:$0x3FA9] =	sst s0;
	s0 =	simm.s32 @!p2 $0x0  }
0x16: {  	s3 =	sld [smem:$0x3FDB];
	s0 =	simm.s32 @p2 $0x1  }
0x17: {  	s4 =	simm.s32 $0x1BF5;
	[smem:$0x3FAB] =	sst s0  }
0x18: {  	s0 =	sld [smem:$0x3F8E];
	_ =	swait.ge [sflag:s4], $0x0  }
0x19: {  	s7 =	sld [smem:$0x3F8F]  }
0x1a: {  	s8 =	sadd.s32 $0xFFFFE003, lr  }
0x1b: {  	s9 =	sadd.s32 $0xFFFFFEF7, lr;
	s5 =	simm.s32 $0xFFFFFFFF;
	p2 =	slt.u32 s8, $0xFFFFF086  }
0x1c: {  	p1 =	slt.u32 s9, $0xF7A;
	s5 =	simm.s32 @!p2 $0x0  }
0x1d: {  	s5 =	simm.s32 @p1 $0x1;
	p0 =	seq.s32 s7, s2  }
0x1e: {  	s7 =	smul.u32 @!p0 $0xF7A, s2;
	p2 =	seq.s32 @!p0 s5, $0x0  }
0x1f: {  	s9 =	smul.u32 $0xF7A, s1;
	s8 =	simm.s32 @!p0 $0x1BF5;
	p2 =	por !p2, p0  }
0x20: {  	[sflag:s8] =	ssyncset.s32 @!p0 $0xFFFFF086;
	s6 =	sadd.s32 @!p0 s3, s7;
	s7 =	simm.s32 @!p0 $0x108  }
0x21: {  	s3 =	sadd.s32 s3, s9;
	s6 =	sadd.s32 @!p0 $0x88, s6;
	s7 =	simm.s32 @p2 $0x1082  }
0x22: {  	[simem:s7], [sflag:s8] =	dma.local @!p0 [hbm:s6], $0xF7A  }
0x23: {  	s9 =	sor.u32 $0xD0000000, s2;
	s6 =	simm.s32 $0x108;
	_ =	swait.ge @!p0 [sflag:s8], $0x0  }
0x24: {  	s3 =	sadd.s32 $0x88, s3;
	s6 =	simm.s32 @!p1 $0x1082;
	[sflag:s4] =	ssyncset.s32 $0xFFFFF086  }
0x25: {  	[simem:s6], [sflag:s4] =	dma.local [hbm:s3], $0xF7A  }
0x26: {  	[smem:$0x3F8F] =	sst s1;
	(tag) =	ssettag s2;
	_ =	strace s9  }
0x27: {  	s1 =	sld [smem:$0x3F9F]  }
0x28: {  	s2 =	sld [smem:$0x3FA0]  }
0x29: {  	s4 =	sld [smem:$0x3FA2]  }
0x2a: {  	p0 =	seq.s32 s5, $0x0;
	s5 =	sld [smem:$0x3FA3]  }
0x2b: {  	s6 =	sld [smem:$0x3FA4]  }
0x2c: {  	s7 =	sld [smem:$0x3FA5]  }
0x2d: {  	s3 =	simm.s32 $0x108;
	s8 =	sld [smem:$0x3FA6]  }
0x2e: {  	s3 =	simm.s32 @!p0 $0x1082;
	s9 =	sld [smem:$0x3FA7]  }
0x2f: {  	lr =	sadd.s32 s0, s3;
	s0 =	sld [smem:$0x3F9E]  }
0x30: {  	s3 =	sld [smem:$0x3FA1]  }
0x31: {  	[smem:$0x3FAA] =	sst s10  }
0x32: {  	s10 =	sld [smem:$0x3FA8];
	_ =	sdelay $0x3  }
0x33: {  	p0 =	seq.s32 s10, $0x1;
	s10 =	sld [smem:$0x3FAA];
	_ =	sdelay $0x3  }
0x34: {  	[smem:$0x3FAA] =	sst s10  }
0x35: {  	s10 =	sld [smem:$0x3FA9];
	_ =	sdelay $0x3  }
0x36: {  	p1 =	seq.s32 s10, $0x1;
	s10 =	sld [smem:$0x3FAA];
	_ =	sdelay $0x3  }
0x37: {  	[smem:$0x3FAA] =	sst s10  }
0x38: {  	s10 =	sld [smem:$0x3FAB]  }
0x39: {  	_ = 	snop;
	(pc) =	sbr.ind lr, $3  }
0x3a: {  	_ = 	snop  }
0x3b: {  	_ = 	snop  }
0x3c: {  	p2 =	seq.s32 s10, $0x1;
	s10 =	sld [smem:$0x3FAA]  }
0x3d: {  	_ =	shalt  }
0x3e: {  	_ =	shalt  }
0x3f: {  	_ =	shalt  }
0x40: {  	_ =	shalt  }
0x41: {  	_ =	shalt  }
0x42: {  	_ =	shalt  }
0x43: {  	_ =	shalt  }
0x44: {  	_ =	shalt  }
0x45: {  	_ =	shalt  }
0x46: {  	_ =	shalt  }
0x47: {  	_ =	shalt  }
0x48: {  	_ =	shalt  }
0x49: {  	_ =	shalt  }
0x4a: {  	_ =	shalt  }
0x4b: {  	_ =	shalt  }
0x4c: {  	_ =	shalt  }
0x4d: {  	_ =	shalt  }
0x4e: {  	_ =	shalt  }
0x4f: {  	_ =	shalt  }
0x50: {  	_ =	shalt  }
0x51: {  	_ =	shalt  }
0x52: {  	_ =	shalt  }
0x53: {  	_ =	shalt  }
0x54: {  	_ =	shalt  }
0x55: {  	_ =	shalt  }
0x56: {  	_ =	shalt  }
0x57: {  	_ =	shalt  }
0x58: {  	_ =	shalt  }
0x59: {  	_ =	shalt  }
0x5a: {  	_ =	shalt  }
0x5b: {  	_ =	shalt  }
0x5c: {  	_ =	shalt  }
0x5d: {  	_ =	shalt  }
0x5e: {  	_ =	shalt  }
0x5f: {  	_ =	shalt  }
0x60: {  	_ =	shalt  }
0x61: {  	_ =	shalt  }
0x62: {  	_ =	shalt  }
0x63: {  	_ =	shalt  }
0x64: {  	_ =	shalt  }
0x65: {  	_ =	shalt  }
0x66: {  	_ =	shalt  }
0x67: {  	_ =	shalt  }
0x68: {  	_ =	shalt  }
0x69: {  	_ =	shalt  }
0x6a: {  	_ =	shalt  }
0x6b: {  	_ =	shalt  }
0x6c: {  	_ =	shalt  }
0x6d: {  	_ =	shalt  }
0x6e: {  	_ =	shalt  }
0x6f: {  	_ =	shalt  }
0x70: {  	_ =	shalt  }
0x71: {  	_ =	shalt  }
0x72: {  	_ =	shalt  }
0x73: {  	_ =	shalt  }
0x74: {  	_ =	shalt  }
0x75: {  	_ =	shalt  }
0x76: {  	_ =	shalt  }
0x77: {  	_ =	shalt  }
0x78: {  	_ =	shalt  }
0x79: {  	_ =	shalt  }
0x7a: {  	_ =	shalt  }
0x7b: {  	_ =	shalt  }
0x7c: {  	_ =	shalt  }
0x7d: {  	_ =	shalt  }
0x7e: {  	_ =	shalt  }
0x7f: {  	_ =	shalt  }
0x80: {  	_ =	shalt  }
0x81: {  	_ =	shalt  }
0x82: {  	_ =	shalt  }
0x83: {  	_ =	shalt  }
0x84: {  	_ =	shalt  }
0x85: {  	_ =	shalt  }
0x86: {  	_ =	shalt  }
0x87: {  	_ =	shalt  }
.Lfunc_end0:
.L_simem_size_0:
called_computation_lowered:
.L_overlay_start_0:
0x88: {  	s2 =	sld [smem:$0x3FD9]  }
0x89: {  	s3 =	sld [smem:$0x3FFE];
	_ =	sdelay $0x1  }
0x8a: {  	s1 =	srdreg.scid  }
0x8b: {  	s0 =	sand.u32 $0x1, s1  }
0x8c: {  	s14 =	sshll.u32 s0, $0xA;
	s2 =	sadd.s32 s3, s2  }
0x8d: {  	s2 =	sadd.s32 s2, s14  }
0x8e: {  	[smem:$0x3FB6] =	sst s2  }
0x8f: {  	_ = 	snop  }
0x90: {  	s2 =	sld [smem:$0x3FD0];
	_ =	sdelay $0x2  }
0x91: {  	s4 =	simm.s32 $0xA;
	s5 =	simm.s32 $0x10;
	s15 =	sld [smem:$0x3FC9]  }
0x92: {  	[smem:s5], [sflag:s4] =	dma.local [hbm:s2], $0x1  }
0x93: {  	_ =	swait.eq [sflag:s4], $0x1  }
0x94: {  	[sflag:s4] =	ssyncset.done $0x0  }
0x95: {  	[sflag:s4] =	ssyncadd.s32 $0xFFFFFFFF  }
0x96: {  	s16 =	sld [smem:$0x10];
	(tm) =	ssettm $0x1  }
0x97: {  	s17 =	sld [smem:$0x3FFB];
	_ =	sdelay $0x3  }
0x98: {  	_ =	strace s17  }
0x99: {  	s4 =	sld [smem:$0x3FFC];
	_ =	sdelay $0x3  }
0x9a: {  	_ =	strace s4  }
0x9b: {  	s4 =	sld [smem:$0x3FFD];
	_ =	sdelay $0x3  }
0x9c: {  	_ =	strace s4  }
0x9d: {  	_ =	strace $0x8FFFFFFF  }
0x9e: {  	s18 =	sld [smem:$0x3FDB];
	_ =	sdelay $0x1  }
0x9f: {  	s19 =	simm.s32 $_scs_section_size  }
0xa0: {  	s6 =	simm.s32 $_size__tile_overlayer_lowered;
	s7 =	simm.s32 $_tile_overlayer_lowered  }
0xa1: {  	s22 =	simm.s32 $0x1BFF;
	s21 =	sshll.u32 s7, $0x1;
	s4 =	sadd.s32 s19, s18  }
0xa2: {  	s8 =	simm.s32 $0x0;
	s20 =	sshll.u32 s6, $0x1;
	s6 =	sadd.s32 s21, s4  }
0xa3: {  	[timem:s8], [sflag:s22] =	dma.local [hbm:s6], s20  }
0xa4: {  	_ =	swait.ge [sflag:s22], s20  }
0xa5: {  	s5 =	ssub.s32 $0x0, s20;
	[sflag:s22] =	ssyncset.done $0x0  }
0xa6: {  	[sflag:s22] =	ssyncadd.s32 s5;
	_ =	sdelay $0x1  }
0xa7: {  	s23 =	simm.s32 $0x1B8B  }
0xa8: {  	_ =	swait.ge [sflag:s23], $0x1  }
0xa9: {  	[sflag:s23] =	ssyncset.done $0x0  }
0xaa: {  	s25 =	simm.s32 $0x1B8E;
	s24 =	sld [smem:$0x3FFE];
	[sflag:s23] =	ssyncadd.s32 $0xFFFFFFFF  }
0xab: {  	s26 =	simm.s32 $execute0_lowered;
	[smem:$0x3FD2] =	sst s25  }
0xac: {  	s6 =	sshll.u32 s26, $0x1;
	_ =	strace $0x80000046;
	[dreg:$0x1] =	wrdreg $0xFFFFFFFF  }
0xad: {  	s28 =	simm.s32 $_size_execute0_lowered;
	s4 =	sadd.s32 s4, s6;
	[dreg:$0x0] =	wrdreg $0x0  }
0xae: {  	s6 =	sshll.u32 s28, $0x1;
	[dreg:$0x2] =	wrdreg s4  }
0xaf: {  	[dreg:$0x3] =	wrdreg s6  }
0xb0: {  	[dreg:$0x4] =	wrdreg $0xC0  }
0xb1: {  	_ =	task [dreg:s8], $0x5FFFF  }
0xb2: {  	[dreg:$0x1] =	wrdreg $0xFFFFFFFF  }
0xb3: {  	[dreg:$0x0] =	wrdreg $0x60  }
0xb4: {  	[dreg:$0x2] =	wrdreg s15  }
0xb5: {  	[dreg:$0x3] =	wrdreg s16  }
0xb6: {  	[dreg:$0x4] =	wrdreg s24  }
0xb7: {  	[dreg:$0x5] =	wrdreg $0x9  }
0xb8: {  	_ =	task.clear_ibuf [dreg:s8], $0x6FFFF;
	_ =	strace $0x90000046  }
0xb9: {  	s29 =	simm.s32 $0x9;
	_ =	strace $0x80000048  }
0xba: {  	_ =	swait.ge [sflag:s29], $0x1  }
0xbb: {  	[sflag:s29] =	ssyncadd.s32 $0xFFFFFFFF  }
0xbc: {  	_ =	strace $0x90000048  }
0xbd: {  	_ =	sfence  }
0xbe: {  	s30 =	sld [smem:$0x0];
	_ =	sdelay $0x2  }
0xbf: {  	s31 =	sshll.u32 s1, $0xD;
	s1 =	sshrl.u32 s1, $0x2  }
0xc0: {  	s3 =	sand.u32 $0x4000, s31;
	s1 =	sadd.s32 s1, s30  }
0xc1: {  	s0 =	sor.u32 s3, s0;
	s1 =	sshll.u32 s1, $0x11  }
0xc2: {  	s0 =	sor.u32 s1, s0  }
0xc3: {  	s0 =	sadd.s32 $0x8F2B, s0  }
0xc4: {  	[sflag:s0] =	ssyncadd.remote.s32 $0x1  }
0xc5: {  	_ =	sfence.sel $0xFFFF  }
0xc6: {  	[dreg:$0x0] =	wrdreg $0xFFFFFFFF;
	(pc) =	sbr.abs _section_cstart, $3  }
0xc7: {  	[dreg:$0x1] =	wrdreg $0xFFFFFFFF  }
0xc8: {  	_ =	task.clear_ibuf [dreg:s8], $0x2FFFF;
	_ =	strace $0x9FFFFFFF  }
0xc9: {  	(tm) =	ssettm $0x7FFFFFFF  }
tec
execute0_lowered:
.L_overlay_start_1:
0x0: {  	(tag) =	ssettag $0x1  }
0x1: {  	s1 =	rddreg [dreg:$0x0]  }
0x2: {  	s4 =	rddreg [dreg:$0x1];
	s2 =	srdreg.scid  }
0x3: {  	s0 =	stileid.u32;
	s5 =	rddreg [dreg:$0x2];
	s3 =	simm.s32 $0x0  }
0x4: {  	s11 =	simm.s32 $0x70;
	s12 =	simm.s32 $0x5080;
	s13 =	simm.s32 $0x1  }
0x5: {  	s14 =	simm.s32 $0x2;
	s15 =	simm.s32 $0x1810;
	s16 =	simm.s32 $0x0  }
0x6: {  	s6 =	sand.u32 $0x1, s2;
	s7 =	sshll.u32 s0, $0x1;
	s2 =	rddreg [dreg:$0x3]  }
0x7: {  	[smem:$0x7FF] =	sst s3;
	s30 =	smul.u32 $0x31000, s0;
	s7 =	sor.u32 s6, s7  }
0x8: {  	s9 =	sadd.s32 $0x4200, s5;
	s29 =	ssub.s32 $0x2, s6;
	s8 =	smul.u32 $0x1880, s7  }
0x9: {  	_ =	strace $0x80000047;
	s10 =	sshrl.u32 s29, $0x1;
	s7 =	smul.u32 $0x18800, s7  }
0xa: {  	s31 =	smul.u32 $0x18800, s6;
	s5 =	ssub.s32 s29, s10;
	s10 =	simm.s32 $0x1880  }
0xb: {  	s8 =	sshrl.u32 s8, $0x3;
	s5 =	smax.u32 s5, $0x1;
	s7 =	sadd.s32 s9, s7  }
0xc: {  	s4 =	sadd.s32 s4, s8;
	s6 =	sadd.s32 $0x17A00, s7;
	s8 =	sadd.s32 s30, s9  }
0xd: {  	s7 =	sadd.s32 $0x18100, s7;
	s9 =	simm.s32 $0x3;
	s8 =	sadd.s32 s31, s8  }
.LBB2_1:
0xe: {  	[tilespmem:s3], [sflag:$0x3] =	stream.linear.gather [hbm4b:s4+s3], $0x1880, $0x38;
	[tilespmem:$0x8880] =	vst v63  }
0xf: {  	_ =	swait.ge [sflag:s9], $0x1880  }
0x10: {  	[sflag:s9] =	ssyncset.done $0x0  }
0x11: {  	[sflag:s9] =	ssyncadd.s32 $0xFFFFE780  }
0x12: {  	[tilespmem:s10], [sflag:$0x1] =	stream.indirect.gather [hbm4b:s1+s11], $0x80, s3, s11, $0xb8;
	[tilespmem:$0x8880] =	vst v63  }
0x13: {  	_ = 	snop  }
0x14: {  	[tilespmem:s12], [sflag:$0x2] =	stream.indirect.gather [hbm4b:s1+s11], $0x80, s11, s11, $0xb8;
	[tilespmem:$0x8880] =	vst v63  }
0x15: {  	_ =	swait.ge [sflag:s13], $0x3800  }
0x16: {  	[sflag:s13] =	ssyncset.done $0x0  }
0x17: {  	s17 =	sadd.s32 $0x0, s8;
	[sflag:s13] =	ssyncadd.s32 $0xFFFFC800  }
0x18: {  	[hbm4b:s17+s3] =	stream.linear.scatter [tilespmem:s10], [sflag:$0x3], $0x3800, $0x38;
	[tilespmem:$0x8880] =	vst v63  }
0x19: {  	_ =	swait.ge [sflag:s9], $0x3800  }
0x1a: {  	[sflag:s9] =	ssyncset.done $0x0  }
0x1b: {  	s18 =	simm.s32 $0xE0;
	[sflag:s9] =	ssyncadd.s32 $0xFFFFC800  }
0x1c: {  	[tilespmem:s10], [sflag:$0x1] =	stream.indirect.gather [hbm4b:s1+s11], $0x80, s18, s11, $0xb8;
	[tilespmem:$0x8880] =	vst v63  }
0x1d: {  	_ =	swait.ge [sflag:s14], $0x3800  }
0x1e: {  	[sflag:s14] =	ssyncset.done $0x0  }
0x1f: {  	s17 =	sadd.s32 $0x700, s17;
	[sflag:s14] =	ssyncadd.s32 $0xFFFFC800  }
0x20: {  	[hbm4b:s17+s3] =	stream.linear.scatter [tilespmem:s12], [sflag:$0x3], $0x3800, $0x38;
	[tilespmem:$0x8880] =	vst v63  }
0x21: {  	_ =	swait.ge [sflag:s9], $0x3800  }
0x22: {  	s18 =	simm.s32 $0x70;
	s17 =	simm.s32 $0xE00;
	[sflag:s9] =	ssyncset.done $0x0  }
.LBB2_2:
0x23: {  	p0 =	sne.s32 s17, $0x16C00;
	[sflag:s9] =	ssyncadd.s32 $0xFFFFC800;
	s18 =	sadd.s32 $0xE0, s18  }
0x24: {  	[tilespmem:s12], [sflag:$0x2] =	stream.indirect.gather [hbm4b:s1+s11], $0x80, s18, s11, $0xb8;
	[tilespmem:$0x8880] =	vst v63  }
0x25: {  	s19 =	smov.u32 s17;
	s17 =	sadd.s32 $0xE00, s17;
	_ =	swait.ge [sflag:s13], $0x3800  }
0x26: {  	[sflag:s13] =	ssyncset.done $0x0  }
0x27: {  	s19 =	sadd.s32 s19, s8;
	[sflag:s13] =	ssyncadd.s32 $0xFFFFC800  }
0x28: {  	[hbm4b:s19+s3] =	stream.linear.scatter [tilespmem:s10], [sflag:$0x3], $0x3800, $0x38;
	[tilespmem:$0x8880] =	vst v63  }
0x29: {  	_ =	swait.ge [sflag:s9], $0x3800  }
0x2a: {  	[sflag:s9] =	ssyncset.done $0x0  }
0x2b: {  	s20 =	sadd.s32 $0x70, s18;
	[sflag:s9] =	ssyncadd.s32 $0xFFFFC800  }
0x2c: {  	[tilespmem:s10], [sflag:$0x1] =	stream.indirect.gather [hbm4b:s1+s11], $0x80, s20, s11, $0xb8;
	[tilespmem:$0x8880] =	vst v63  }
0x2d: {  	_ =	swait.ge [sflag:s14], $0x3800  }
.Ltmp0:
0x2e: {  	[sflag:s14] =	ssyncset.done $0x0;
	(pc) =	sbr.rel @p0 .LBB2_2-.Ltmp0, $4  }
0x2f: {  	s19 =	sadd.s32 $0x700, s19;
	[sflag:s14] =	ssyncadd.s32 $0xFFFFC800  }
0x30: {  	[hbm4b:s19+s3] =	stream.linear.scatter [tilespmem:s12], [sflag:$0x3], $0x3800, $0x38;
	[tilespmem:$0x8880] =	vst v63  }
0x31: {  	_ =	swait.ge [sflag:s9], $0x3800  }
0x32: {  	[sflag:s9] =	ssyncset.done $0x0  }
0x33: {  	[sflag:s9] =	ssyncadd.s32 $0xFFFFC800  }
0x34: {  	[tilespmem:s12], [sflag:$0x2] =	stream.indirect.gather [hbm4b:s1+s11], $0x80, s15, s11, $0xb8;
	[tilespmem:$0x8880] =	vst v63  }
0x35: {  	_ =	swait.ge [sflag:s13], $0x3800  }
0x36: {  	[sflag:s13] =	ssyncset.done $0x0  }
0x37: {  	[sflag:s13] =	ssyncadd.s32 $0xFFFFC800  }
0x38: {  	[hbm4b:s6+s3] =	stream.linear.scatter [tilespmem:s10], [sflag:$0x3], $0x3800, $0x38;
	[tilespmem:$0x8880] =	vst v63  }
0x39: {  	_ =	swait.ge [sflag:s9], $0x3800  }
0x3a: {  	[sflag:s9] =	ssyncset.done $0x0  }
0x3b: {  	[sflag:s9] =	ssyncadd.s32 $0xFFFFC800  }
0x3c: {  	s16 =	sadd.s32 $0x1, s16;
	_ =	swait.ge [sflag:s14], $0x3800  }
0x3d: {  	p0 =	sne.s32 s16, s5;
	[sflag:s14] =	ssyncset.done $0x0  }
.Ltmp1:
0x3e: {  	[sflag:s14] =	ssyncadd.s32 $0xFFFFC800;
	(pc) =	sbr.rel @p0 .LBB2_1-.Ltmp1, $4  }
0x3f: {  	[hbm4b:s7+s3] =	stream.linear.scatter [tilespmem:s12], [sflag:$0x3], $0x3800, $0x38;
	[tilespmem:$0x8880] =	vst v63  }
0x40: {  	_ =	swait.ge [sflag:s9], $0x3800  }
0x41: {  	[sflag:s9] =	ssyncset.done $0x0  }
0x42: {  	[sflag:s9] =	ssyncadd.s32 $0xFFFFC800  }
0x43: {  	_ =	sfence.sel $0x180000  }
0x44: {  	[bflag:$0x0] =	sbarrier.arrive $0xFFFF  }
0x45: {  	p0 =	sne.s32 s0, $0x0;
	_ =	strace $0x90000047  }
0x46: {  	s0 =	sadd.s32 @!p0 $0x100000, s2;
	[bflag:$0x2] =	sbarrier.arrive $0xFFFF  }
0x47: {  	[sflag:s0] =	ssyncadd.tile.s32 @!p0 $0x1;
	_ =	shalt  }
.Lfunc_end2:
_tile_overlayer_lowered:
.L_overlay_start_2:
0x48: {  	(tag) =	ssettag $0x2  }
0x49: {  	s0 =	rddreg [dreg:$0x0];
	s2 =	stileid.u32  }
0x4a: {  	s1 =	rddreg [dreg:$0x1];
	p0 =	sne.s32 s2, $0x0  }
0x4b: {  	s3 =	rddreg [dreg:$0x2];
	[bflag:$0x3] =	sbarrier.arrive $0xFFFF;
	s2 =	simm.s32 @!p0 $0x1C03  }
0x4c: {  	[timem:s3], [sflag:s2] =	dma.local @!p0 [hbm:s0], s1  }
0x4d: {  	s0 =	simm.s32 @!p0 $0x3  }
0x4e: {  	_ =	swait.ge @!p0 [sflag:s0], s1  }
0x4f: {  	s1 =	ssub.s32 @!p0 $0x0, s1;
	[sflag:s0] =	ssyncset.done @!p0 $0x0  }
0x50: {  	[sflag:s0] =	ssyncadd.s32 @!p0 s1  }
0x51: {  	[bflag:$0x3] =	sbarrier.arrive $0xFFFF  }
0x52: {  	_ =	shalt  }

</sc_bundles>
